<compile_context>
chip_gen: v7x
topology: tpu7x:2x2x1
jax: 0.10.2.dev20260603
libtpu: 0.0.44.dev20260713+nightly
codegen_flags: <defaults>
</compile_context>

<pallas_src>
import functools

import jax
import jax.numpy as jnp
from jax import lax
from jax.experimental import pallas as pl
from jax.experimental.pallas import tpu as pltpu
from jax.experimental.pallas import tpu_sc as plsc

F = 26
B = 4096
V = 100000
D = 64

NW = 32
ROWS = F * B // NW
CH = 128
NCH = ROWS // CH
NBUF = 2


def _gather_body(tables_hbm, idx_hbm, out_hbm, idx_v, bufs, sems):
    c = lax.axis_index("c")
    s = lax.axis_index("s")
    wid = s * 2 + c
    base = wid * ROWS
    pltpu.sync_copy(idx_hbm.at[wid], idx_v)

    for j in range(NBUF):
        pltpu.async_copy(tables_hbm.at[idx_v.at[j]], bufs[j], sems[j])
    for jo in range(NCH):
        bj = jo % NBUF
        pltpu.make_async_copy(tables_hbm.at[idx_v.at[jo]], bufs[bj], sems[bj]).wait()
        pltpu.sync_copy(bufs[bj], out_hbm.at[pl.ds(base + jo * CH, CH)])
        nj = jo + NBUF
        if nj < NCH:
            pltpu.async_copy(tables_hbm.at[idx_v.at[nj]], bufs[bj], sems[bj])


@jax.jit
def _gather(tables_pair, idx):
    mesh = plsc.VectorSubcoreMesh(core_axis_name="c", subcore_axis_name="s")
    kern = pl.kernel(
        lambda t, i, o, iv, b0, b1, s0, s1: _gather_body(
            t, i, o, iv, (b0, b1), (s0, s1)),
        out_type=jax.ShapeDtypeStruct((F * B, 2 * D), jnp.float32),
        mesh=mesh,
        scratch_types=[
            pltpu.VMEM((NCH, CH), jnp.int32),
            pltpu.VMEM((CH, 2 * D), jnp.float32),
            pltpu.VMEM((CH, 2 * D), jnp.float32),
            pltpu.SemaphoreType.DMA,
            pltpu.SemaphoreType.DMA,
        ],
    )
    return kern(tables_pair, idx)


VC = 8192


def _tr_body(tp_ref, u_ref):
    u_ref[0] = lax.transpose(tp_ref[0], (1, 0))


@jax.jit
def _to_row_major(tab_t):
    import math
    nv = math.ceil(V / VC)
    return pl.pallas_call(
        _tr_body,
        out_shape=jax.ShapeDtypeStruct((F, V, D), jnp.float32),
        grid=(F, nv),
        in_specs=[pl.BlockSpec((1, D, VC), lambda f, j: (f, 0, j))],
        out_specs=pl.BlockSpec((1, VC, D), lambda f, j: (f, j, 0)),
    )(tab_t)


def _mm_body(emb_ref, par_ref, wlo_ref, whi_ref, b_ref, out_ref):
    e = emb_ref[...]
    pf = lax.broadcast_in_dim(par_ref[...], (F, BS, D), (0, 1))
    dn = (((2,), (1,)), ((0,), (0,)))
    r_lo = lax.dot_general(e, wlo_ref[...], dn,
                           preferred_element_type=jnp.float32)
    r_hi = lax.dot_general(e, whi_ref[...], dn,
                           preferred_element_type=jnp.float32)
    r = r_lo + pf * (r_hi - r_lo)
    out_ref[...] = jnp.sum(r, axis=0) + jnp.sum(b_ref[...], axis=0)


BS = 512


@jax.jit
def _linear_pool(emb_pair, par, W, b):
    z = jnp.zeros_like(W)
    w_lo = jnp.concatenate([W, z], axis=1)
    w_hi = jnp.concatenate([z, W], axis=1)
    return pl.pallas_call(
        _mm_body,
        out_shape=jax.ShapeDtypeStruct((B, D), jnp.float32),
        grid=(B // BS,),
        in_specs=[
            pl.BlockSpec((F, BS, 2 * D), lambda i: (0, i, 0)),
            pl.BlockSpec((F, BS), lambda i: (0, i)),
            pl.BlockSpec((F, 2 * D, D), lambda i: (0, 0, 0)),
            pl.BlockSpec((F, 2 * D, D), lambda i: (0, 0, 0)),
            pl.BlockSpec((F, D), lambda i: (0, 0)),
        ],
        out_specs=pl.BlockSpec((BS, D), lambda i: (i, 0)),
    )(emb_pair, par.astype(jnp.float32), w_lo, w_hi, b)


def kernel(indices, tables, W, b):
    tab_t = tables.transpose(0, 2, 1)
    tables_pair = tab_t.reshape(F * V // 2, 2 * D)
    offs = (jnp.arange(F, dtype=jnp.int32) * V)[:, None]
    fv = indices.astype(jnp.int32) + offs
    pidx = (fv >> 1).reshape(NW, NCH, CH)
    par = fv & 1
    emb_pair = _gather(tables_pair, pidx).reshape(F, B, 2 * D)
    return _linear_pool(emb_pair, par, W, b)

# --- scband reference (transcript-rebuilt; emitter-appended) ---
"""Pipeline reference for scband-trans-embedding-40939628265992 (READ-ONLY COPY).

The authoritative reference and input builder live on the scoring server;
editing this copy changes nothing except your own understanding.
"""

import jax, jax.numpy as jnp
import numpy as np

F = 26   # number of categorical fields
B = 4096 # batch
V = 100000 # vocab per table
D = 64   # in_feats (embedding dim = MLP dim)

def setup_inputs(seed: int = 0) -> dict:
    key = jax.random.key(seed)
    k0, k1, k2 = jax.random.split(key, 3)
    indices = jax.random.randint(k0, (F, B), 0, V)  # stacked cat_dict values, one row per field
    tables = jax.random.normal(k1, (F, V, D), dtype=jnp.float32) * 0.02
    W = jax.random.normal(k2, (F, D, D), dtype=jnp.float32) * (1.0 / np.sqrt(D))
    b = jnp.zeros((F, D), dtype=jnp.float32)
    return {"indices": indices, "tables": tables, "W": W, "b": b}

def reference(indices, tables, W, b):
    # per-field embedding lookup: emb[f] = tables[f][indices[f]]  -> [F, B, D]
    emb = jax.vmap(lambda t, idx: jnp.take(t, idx, axis=0))(tables, indices)
    # dropout is identity in eval mode
    # per-field Linear: out[f] = emb[f] @ W[f] + b[f]
    out = jnp.einsum('fbd,fde->fbe', emb, W) + b[:, None, :]
    # add-pooling over fields
    return jnp.sum(out, axis=0)  # [B, D]

if __name__ == "__main__":
    import jax
    _d = setup_inputs()
    print(jax.jit(kernel)(*tuple(_d.values())))

</pallas_src>

<mosaic_0001>
#map = affine_map<(d0, d1) -> (0, 0)>
#map1 = affine_map<(d0, d1) -> (0, 0, 0)>
module attributes {stable_mosaic.version = 14 : i64} {
  func.func @_lambda_(%arg0: i32, %arg1: i32, %arg2: memref<1300000x128xf32, #tpu.memory_space<hbm>>, %arg3: memref<32x26x128xi32, #tpu.memory_space<hbm>>, %arg4: memref<106496x128xf32, #tpu.memory_space<hbm>>, %arg5: memref<26x128xi32, #tpu.memory_space<vmem>>, %arg6: memref<128x128xf32, #tpu.memory_space<vmem>>, %arg7: memref<128x128xf32, #tpu.memory_space<vmem>>, %arg8: memref<!tpu.dma_semaphore, #tpu.memory_space<semaphore_mem>>, %arg9: memref<!tpu.dma_semaphore, #tpu.memory_space<semaphore_mem>>) attributes {dimension_semantics = [#tpu.dimension_semantics<core_parallel>, #tpu.dimension_semantics<subcore_parallel>], iteration_bounds = array<i64: 2, 16>, scalar_prefetch = 0 : i64, scratch_operands = 5 : i64, tpu.core_type = #tpu.core_type<sc_vector_subcore>, window_params = [{transform_indices = #map}, {transform_indices = #map1}, {transform_indices = #map}]} {
    %mul3A = arith.constant 2 : i32
    %mul3A_0 = arith.muli %arg1, %mul3A : i32
    %add3A = arith.addi %mul3A_0, %arg0 : i32
    %mul3A_1 = arith.constant 3328 : i32
    %mul3A_2 = arith.muli %add3A, %mul3A_1 : i32
    "tpu.region"() ({
      %run_scoped3A = tpu.sem_alloc : memref<!tpu.dma_semaphore, #tpu.memory_space<semaphore_mem>>
      %dma_start3A_417 = arith.constant 0 : i32
      %dma_start3A_418 = arith.constant 0 : i32
      %dma_start3A_419 = tpu.memref_slice %arg3[%add3A, %dma_start3A_417, %dma_start3A_418] : memref<32x26x128xi32, #tpu.memory_space<hbm>> -> memref<1x26x128xi32, #tpu.memory_space<hbm>>
      %dma_start3A_420 = tpu.memref_squeeze %dma_start3A_419 : memref<1x26x128xi32, #tpu.memory_space<hbm>> -> memref<26x128xi32, #tpu.memory_space<hbm>>
      %dma_start3A_421 = arith.constant 0 : i32
      %dma_start3A_422 = arith.constant 0 : i32
      %dma_start3A_423 = tpu.memref_slice %arg3[%add3A, %dma_start3A_421, %dma_start3A_422] : memref<32x26x128xi32, #tpu.memory_space<hbm>> -> memref<1x26x128xi32, #tpu.memory_space<hbm>>
      %dma_start3A_424 = tpu.memref_squeeze %dma_start3A_423 : memref<1x26x128xi32, #tpu.memory_space<hbm>> -> memref<26x128xi32, #tpu.memory_space<hbm>>
      tpu.enqueue_dma source(%dma_start3A_424 : memref<26x128xi32, #tpu.memory_space<hbm>>) target(%arg5 : memref<26x128xi32, #tpu.memory_space<vmem>>) target_semaphore(%run_scoped3A : memref<!tpu.dma_semaphore, #tpu.memory_space<semaphore_mem>>)
      %dma_wait3A_425 = arith.constant 0 : i32
      %dma_wait3A_426 = arith.constant 0 : i32
      %dma_wait3A_427 = tpu.memref_slice %arg3[%add3A, %dma_wait3A_425, %dma_wait3A_426] : memref<32x26x128xi32, #tpu.memory_space<hbm>> -> memref<1x26x128xi32, #tpu.memory_space<hbm>>
      %dma_wait3A_428 = tpu.memref_squeeze %dma_wait3A_427 : memref<1x26x128xi32, #tpu.memory_space<hbm>> -> memref<26x128xi32, #tpu.memory_space<hbm>>
      %dma_wait3A_429 = arith.constant 0 : i32
      %dma_wait3A_430 = arith.constant 0 : i32
      %dma_wait3A_431 = tpu.memref_slice %arg3[%add3A, %dma_wait3A_429, %dma_wait3A_430] : memref<32x26x128xi32, #tpu.memory_space<hbm>> -> memref<1x26x128xi32, #tpu.memory_space<hbm>>
      %dma_wait3A_432 = tpu.memref_squeeze %dma_wait3A_431 : memref<1x26x128xi32, #tpu.memory_space<hbm>> -> memref<26x128xi32, #tpu.memory_space<hbm>>
      tpu.wait_dma2 semaphore(%run_scoped3A : memref<!tpu.dma_semaphore, #tpu.memory_space<semaphore_mem>>) src(%dma_wait3A_432 : memref<26x128xi32, #tpu.memory_space<hbm>>) dst(%arg5 : memref<26x128xi32, #tpu.memory_space<vmem>>)
      tpu.yield
    }) : () -> ()
    %dma_start3A = arith.constant 0 : i32
    %dma_start3A_3 = arith.constant 0 : i32
    %dma_start3A_4 = tpu.memref_slice %arg5[%dma_start3A, %dma_start3A_3] : memref<26x128xi32, #tpu.memory_space<vmem>> -> memref<1x128xi32, #tpu.memory_space<vmem>>
    %dma_start3A_5 = tpu.memref_squeeze %dma_start3A_4 : memref<1x128xi32, #tpu.memory_space<vmem>> -> memref<128xi32, #tpu.memory_space<vmem>>
    %dma_start3A_6 = arith.constant 0 : i32
    %dma_start3A_7 = arith.constant 0 : i32
    %dma_start3A_8 = tpu.memref_slice %arg2[%dma_start3A_6, %dma_start3A_7] : memref<1300000x128xf32, #tpu.memory_space<hbm>> -> memref<1300000x128xf32, #tpu.memory_space<hbm>>
    tpu.enqueue_indirect_dma source(%dma_start3A_8 : memref<1300000x128xf32, #tpu.memory_space<hbm>>) target(%arg6 : memref<128x128xf32, #tpu.memory_space<vmem>>) offsets(%dma_start3A_5 : memref<128xi32, #tpu.memory_space<vmem>>) semaphore(%arg8 : memref<!tpu.dma_semaphore, #tpu.memory_space<semaphore_mem>>)
    %dma_start3A_9 = arith.constant 1 : i32
    %dma_start3A_10 = arith.constant 0 : i32
    %dma_start3A_11 = tpu.memref_slice %arg5[%dma_start3A_9, %dma_start3A_10] : memref<26x128xi32, #tpu.memory_space<vmem>> -> memref<1x128xi32, #tpu.memory_space<vmem>>
    %dma_start3A_12 = tpu.memref_squeeze %dma_start3A_11 : memref<1x128xi32, #tpu.memory_space<vmem>> -> memref<128xi32, #tpu.memory_space<vmem>>
    %dma_start3A_13 = arith.constant 0 : i32
    %dma_start3A_14 = arith.constant 0 : i32
    %dma_start3A_15 = tpu.memref_slice %arg2[%dma_start3A_13, %dma_start3A_14] : memref<1300000x128xf32, #tpu.memory_space<hbm>> -> memref<1300000x128xf32, #tpu.memory_space<hbm>>
    tpu.enqueue_indirect_dma source(%dma_start3A_15 : memref<1300000x128xf32, #tpu.memory_space<hbm>>) target(%arg7 : memref<128x128xf32, #tpu.memory_space<vmem>>) offsets(%dma_start3A_12 : memref<128xi32, #tpu.memory_space<vmem>>) semaphore(%arg9 : memref<!tpu.dma_semaphore, #tpu.memory_space<semaphore_mem>>)
    %dma_wait3A = arith.constant 0 : i32
    %dma_wait3A_16 = arith.constant 0 : i32
    %dma_wait3A_17 = tpu.memref_slice %arg5[%dma_wait3A, %dma_wait3A_16] : memref<26x128xi32, #tpu.memory_space<vmem>> -> memref<1x128xi32, #tpu.memory_space<vmem>>
    %dma_wait3A_18 = tpu.memref_squeeze %dma_wait3A_17 : memref<1x128xi32, #tpu.memory_space<vmem>> -> memref<128xi32, #tpu.memory_space<vmem>>
    %dma_wait3A_19 = arith.constant 0 : i32
    %dma_wait3A_20 = arith.constant 0 : i32
    %dma_wait3A_21 = tpu.memref_slice %arg2[%dma_wait3A_19, %dma_wait3A_20] : memref<1300000x128xf32, #tpu.memory_space<hbm>> -> memref<1300000x128xf32, #tpu.memory_space<hbm>>
    tpu.wait_indirect_dma semaphore(%arg8 : memref<!tpu.dma_semaphore, #tpu.memory_space<semaphore_mem>>) src(%dma_wait3A_21 : memref<1300000x128xf32, #tpu.memory_space<hbm>>) dst(%arg6 : memref<128x128xf32, #tpu.memory_space<vmem>>)
    %add3A_22 = arith.constant 0 : i32
    %add3A_23 = arith.addi %mul3A_2, %add3A_22 : i32
    "tpu.region"() ({
      %run_scoped3A = tpu.sem_alloc : memref<!tpu.dma_semaphore, #tpu.memory_space<semaphore_mem>>
      %dma_start3A_417 = arith.constant 0 : i32
      %dma_start3A_418 = tpu.memref_slice %arg4[%add3A_23, %dma_start3A_417] : memref<106496x128xf32, #tpu.memory_space<hbm>> -> memref<128x128xf32, #tpu.memory_space<hbm>>
      %dma_start3A_419 = arith.constant 0 : i32
      %dma_start3A_420 = tpu.memref_slice %arg4[%add3A_23, %dma_start3A_419] : memref<106496x128xf32, #tpu.memory_space<hbm>> -> memref<128x128xf32, #tpu.memory_space<hbm>>
      tpu.enqueue_dma source(%arg6 : memref<128x128xf32, #tpu.memory_space<vmem>>) target(%dma_start3A_420 : memref<128x128xf32, #tpu.memory_space<hbm>>) target_semaphore(%run_scoped3A : memref<!tpu.dma_semaphore, #tpu.memory_space<semaphore_mem>>)
      %dma_wait3A_421 = arith.constant 0 : i32
      %dma_wait3A_422 = tpu.memref_slice %arg4[%add3A_23, %dma_wait3A_421] : memref<106496x128xf32, #tpu.memory_space<hbm>> -> memref<128x128xf32, #tpu.memory_space<hbm>>
      %dma_wait3A_423 = arith.constant 0 : i32
      %dma_wait3A_424 = tpu.memref_slice %arg4[%add3A_23, %dma_wait3A_423] : memref<106496x128xf32, #tpu.memory_space<hbm>> -> memref<128x128xf32, #tpu.memory_space<hbm>>
      tpu.wait_dma2 semaphore(%run_scoped3A : memref<!tpu.dma_semaphore, #tpu.memory_space<semaphore_mem>>) src(%arg6 : memref<128x128xf32, #tpu.memory_space<vmem>>) dst(%dma_wait3A_424 : memref<128x128xf32, #tpu.memory_space<hbm>>)
      tpu.yield
    }) : () -> ()
    %dma_start3A_24 = arith.constant 2 : i32
    %dma_start3A_25 = arith.constant 0 : i32
    %dma_start3A_26 = tpu.memref_slice %arg5[%dma_start3A_24, %dma_start3A_25] : memref<26x128xi32, #tpu.memory_space<vmem>> -> memref<1x128xi32, #tpu.memory_space<vmem>>
    %dma_start3A_27 = tpu.memref_squeeze %dma_start3A_26 : memref<1x128xi32, #tpu.memory_space<vmem>> -> memref<128xi32, #tpu.memory_space<vmem>>
    %dma_start3A_28 = arith.constant 0 : i32
    %dma_start3A_29 = arith.constant 0 : i32
    %dma_start3A_30 = tpu.memref_slice %arg2[%dma_start3A_28, %dma_start3A_29] : memref<1300000x128xf32, #tpu.memory_space<hbm>> -> memref<1300000x128xf32, #tpu.memory_space<hbm>>
    tpu.enqueue_indirect_dma source(%dma_start3A_30 : memref<1300000x128xf32, #tpu.memory_space<hbm>>) target(%arg6 : memref<128x128xf32, #tpu.memory_space<vmem>>) offsets(%dma_start3A_27 : memref<128xi32, #tpu.memory_space<vmem>>) semaphore(%arg8 : memref<!tpu.dma_semaphore, #tpu.memory_space<semaphore_mem>>)
    %dma_wait3A_31 = arith.constant 1 : i32
    %dma_wait3A_32 = arith.constant 0 : i32
    %dma_wait3A_33 = tpu.memref_slice %arg5[%dma_wait3A_31, %dma_wait3A_32] : memref<26x128xi32, #tpu.memory_space<vmem>> -> memref<1x128xi32, #tpu.memory_space<vmem>>
    %dma_wait3A_34 = tpu.memref_squeeze %dma_wait3A_33 : memref<1x128xi32, #tpu.memory_space<vmem>> -> memref<128xi32, #tpu.memory_space<vmem>>
    %dma_wait3A_35 = arith.constant 0 : i32
    %dma_wait3A_36 = arith.constant 0 : i32
    %dma_wait3A_37 = tpu.memref_slice %arg2[%dma_wait3A_35, %dma_wait3A_36] : memref<1300000x128xf32, #tpu.memory_space<hbm>> -> memref<1300000x128xf32, #tpu.memory_space<hbm>>
    tpu.wait_indirect_dma semaphore(%arg9 : memref<!tpu.dma_semaphore, #tpu.memory_space<semaphore_mem>>) src(%dma_wait3A_37 : memref<1300000x128xf32, #tpu.memory_space<hbm>>) dst(%arg7 : memref<128x128xf32, #tpu.memory_space<vmem>>)
    %add3A_38 = arith.constant 128 : i32
    %add3A_39 = arith.addi %mul3A_2, %add3A_38 : i32
    "tpu.region"() ({
      %run_scoped3A = tpu.sem_alloc : memref<!tpu.dma_semaphore, #tpu.memory_space<semaphore_mem>>
      %dma_start3A_417 = arith.constant 0 : i32
      %dma_start3A_418 = tpu.memref_slice %arg4[%add3A_39, %dma_start3A_417] : memref<106496x128xf32, #tpu.memory_space<hbm>> -> memref<128x128xf32, #tpu.memory_space<hbm>>
      %dma_start3A_419 = arith.constant 0 : i32
      %dma_start3A_420 = tpu.memref_slice %arg4[%add3A_39, %dma_start3A_419] : memref<106496x128xf32, #tpu.memory_space<hbm>> -> memref<128x128xf32, #tpu.memory_space<hbm>>
      tpu.enqueue_dma source(%arg7 : memref<128x128xf32, #tpu.memory_space<vmem>>) target(%dma_start3A_420 : memref<128x128xf32, #tpu.memory_space<hbm>>) target_semaphore(%run_scoped3A : memref<!tpu.dma_semaphore, #tpu.memory_space<semaphore_mem>>)
      %dma_wait3A_421 = arith.constant 0 : i32
      %dma_wait3A_422 = tpu.memref_slice %arg4[%add3A_39, %dma_wait3A_421] : memref<106496x128xf32, #tpu.memory_space<hbm>> -> memref<128x128xf32, #tpu.memory_space<hbm>>
      %dma_wait3A_423 = arith.constant 0 : i32
      %dma_wait3A_424 = tpu.memref_slice %arg4[%add3A_39, %dma_wait3A_423] : memref<106496x128xf32, #tpu.memory_space<hbm>> -> memref<128x128xf32, #tpu.memory_space<hbm>>
      tpu.wait_dma2 semaphore(%run_scoped3A : memref<!tpu.dma_semaphore, #tpu.memory_space<semaphore_mem>>) src(%arg7 : memref<128x128xf32, #tpu.memory_space<vmem>>) dst(%dma_wait3A_424 : memref<128x128xf32, #tpu.memory_space<hbm>>)
      tpu.yield
    }) : () -> ()
    %dma_start3A_40 = arith.constant 3 : i32
    %dma_start3A_41 = arith.constant 0 : i32
    %dma_start3A_42 = tpu.memref_slice %arg5[%dma_start3A_40, %dma_start3A_41] : memref<26x128xi32, #tpu.memory_space<vmem>> -> memref<1x128xi32, #tpu.memory_space<vmem>>
    %dma_start3A_43 = tpu.memref_squeeze %dma_start3A_42 : memref<1x128xi32, #tpu.memory_space<vmem>> -> memref<128xi32, #tpu.memory_space<vmem>>
    %dma_start3A_44 = arith.constant 0 : i32
    %dma_start3A_45 = arith.constant 0 : i32
    %dma_start3A_46 = tpu.memref_slice %arg2[%dma_start3A_44, %dma_start3A_45] : memref<1300000x128xf32, #tpu.memory_space<hbm>> -> memref<1300000x128xf32, #tpu.memory_space<hbm>>
    tpu.enqueue_indirect_dma source(%dma_start3A_46 : memref<1300000x128xf32, #tpu.memory_space<hbm>>) target(%arg7 : memref<128x128xf32, #tpu.memory_space<vmem>>) offsets(%dma_start3A_43 : memref<128xi32, #tpu.memory_space<vmem>>) semaphore(%arg9 : memref<!tpu.dma_semaphore, #tpu.memory_space<semaphore_mem>>)
    %dma_wait3A_47 = arith.constant 2 : i32
    %dma_wait3A_48 = arith.constant 0 : i32
    %dma_wait3A_49 = tpu.memref_slice %arg5[%dma_wait3A_47, %dma_wait3A_48] : memref<26x128xi32, #tpu.memory_space<vmem>> -> memref<1x128xi32, #tpu.memory_space<vmem>>
    %dma_wait3A_50 = tpu.memref_squeeze %dma_wait3A_49 : memref<1x128xi32, #tpu.memory_space<vmem>> -> memref<128xi32, #tpu.memory_space<vmem>>
    %dma_wait3A_51 = arith.constant 0 : i32
    %dma_wait3A_52 = arith.constant 0 : i32
    %dma_wait3A_53 = tpu.memref_slice %arg2[%dma_wait3A_51, %dma_wait3A_52] : memref<1300000x128xf32, #tpu.memory_space<hbm>> -> memref<1300000x128xf32, #tpu.memory_space<hbm>>
    tpu.wait_indirect_dma semaphore(%arg8 : memref<!tpu.dma_semaphore, #tpu.memory_space<semaphore_mem>>) src(%dma_wait3A_53 : memref<1300000x128xf32, #tpu.memory_space<hbm>>) dst(%arg6 : memref<128x128xf32, #tpu.memory_space<vmem>>)
    %add3A_54 = arith.constant 256 : i32
    %add3A_55 = arith.addi %mul3A_2, %add3A_54 : i32
    "tpu.region"() ({
      %run_scoped3A = tpu.sem_alloc : memref<!tpu.dma_semaphore, #tpu.memory_space<semaphore_mem>>
      %dma_start3A_417 = arith.constant 0 : i32
      %dma_start3A_418 = tpu.memref_slice %arg4[%add3A_55, %dma_start3A_417] : memref<106496x128xf32, #tpu.memory_space<hbm>> -> memref<128x128xf32, #tpu.memory_space<hbm>>
      %dma_start3A_419 = arith.constant 0 : i32
      %dma_start3A_420 = tpu.memref_slice %arg4[%add3A_55, %dma_start3A_419] : memref<106496x128xf32, #tpu.memory_space<hbm>> -> memref<128x128xf32, #tpu.memory_space<hbm>>
      tpu.enqueue_dma source(%arg6 : memref<128x128xf32, #tpu.memory_space<vmem>>) target(%dma_start3A_420 : memref<128x128xf32, #tpu.memory_space<hbm>>) target_semaphore(%run_scoped3A : memref<!tpu.dma_semaphore, #tpu.memory_space<semaphore_mem>>)
      %dma_wait3A_421 = arith.constant 0 : i32
      %dma_wait3A_422 = tpu.memref_slice %arg4[%add3A_55, %dma_wait3A_421] : memref<106496x128xf32, #tpu.memory_space<hbm>> -> memref<128x128xf32, #tpu.memory_space<hbm>>
      %dma_wait3A_423 = arith.constant 0 : i32
      %dma_wait3A_424 = tpu.memref_slice %arg4[%add3A_55, %dma_wait3A_423] : memref<106496x128xf32, #tpu.memory_space<hbm>> -> memref<128x128xf32, #tpu.memory_space<hbm>>
      tpu.wait_dma2 semaphore(%run_scoped3A : memref<!tpu.dma_semaphore, #tpu.memory_space<semaphore_mem>>) src(%arg6 : memref<128x128xf32, #tpu.memory_space<vmem>>) dst(%dma_wait3A_424 : memref<128x128xf32, #tpu.memory_space<hbm>>)
      tpu.yield
    }) : () -> ()
    %dma_start3A_56 = arith.constant 4 : i32
    %dma_start3A_57 = arith.constant 0 : i32
    %dma_start3A_58 = tpu.memref_slice %arg5[%dma_start3A_56, %dma_start3A_57] : memref<26x128xi32, #tpu.memory_space<vmem>> -> memref<1x128xi32, #tpu.memory_space<vmem>>
    %dma_start3A_59 = tpu.memref_squeeze %dma_start3A_58 : memref<1x128xi32, #tpu.memory_space<vmem>> -> memref<128xi32, #tpu.memory_space<vmem>>
    %dma_start3A_60 = arith.constant 0 : i32
    %dma_start3A_61 = arith.constant 0 : i32
    %dma_start3A_62 = tpu.memref_slice %arg2[%dma_start3A_60, %dma_start3A_61] : memref<1300000x128xf32, #tpu.memory_space<hbm>> -> memref<1300000x128xf32, #tpu.memory_space<hbm>>
    tpu.enqueue_indirect_dma source(%dma_start3A_62 : memref<1300000x128xf32, #tpu.memory_space<hbm>>) target(%arg6 : memref<128x128xf32, #tpu.memory_space<vmem>>) offsets(%dma_start3A_59 : memref<128xi32, #tpu.memory_space<vmem>>) semaphore(%arg8 : memref<!tpu.dma_semaphore, #tpu.memory_space<semaphore_mem>>)
    %dma_wait3A_63 = arith.constant 3 : i32
    %dma_wait3A_64 = arith.constant 0 : i32
    %dma_wait3A_65 = tpu.memref_slice %arg5[%dma_wait3A_63, %dma_wait3A_64] : memref<26x128xi32, #tpu.memory_space<vmem>> -> memref<1x128xi32, #tpu.memory_space<vmem>>
    %dma_wait3A_66 = tpu.memref_squeeze %dma_wait3A_65 : memref<1x128xi32, #tpu.memory_space<vmem>> -> memref<128xi32, #tpu.memory_space<vmem>>
    %dma_wait3A_67 = arith.constant 0 : i32
    %dma_wait3A_68 = arith.constant 0 : i32
    %dma_wait3A_69 = tpu.memref_slice %arg2[%dma_wait3A_67, %dma_wait3A_68] : memref<1300000x128xf32, #tpu.memory_space<hbm>> -> memref<1300000x128xf32, #tpu.memory_space<hbm>>
    tpu.wait_indirect_dma semaphore(%arg9 : memref<!tpu.dma_semaphore, #tpu.memory_space<semaphore_mem>>) src(%dma_wait3A_69 : memref<1300000x128xf32, #tpu.memory_space<hbm>>) dst(%arg7 : memref<128x128xf32, #tpu.memory_space<vmem>>)
    %add3A_70 = arith.constant 384 : i32
    %add3A_71 = arith.addi %mul3A_2, %add3A_70 : i32
    "tpu.region"() ({
      %run_scoped3A = tpu.sem_alloc : memref<!tpu.dma_semaphore, #tpu.memory_space<semaphore_mem>>
      %dma_start3A_417 = arith.constant 0 : i32
      %dma_start3A_418 = tpu.memref_slice %arg4[%add3A_71, %dma_start3A_417] : memref<106496x128xf32, #tpu.memory_space<hbm>> -> memref<128x128xf32, #tpu.memory_space<hbm>>
      %dma_start3A_419 = arith.constant 0 : i32
      %dma_start3A_420 = tpu.memref_slice %arg4[%add3A_71, %dma_start3A_419] : memref<106496x128xf32, #tpu.memory_space<hbm>> -> memref<128x128xf32, #tpu.memory_space<hbm>>
      tpu.enqueue_dma source(%arg7 : memref<128x128xf32, #tpu.memory_space<vmem>>) target(%dma_start3A_420 : memref<128x128xf32, #tpu.memory_space<hbm>>) target_semaphore(%run_scoped3A : memref<!tpu.dma_semaphore, #tpu.memory_space<semaphore_mem>>)
      %dma_wait3A_421 = arith.constant 0 : i32
      %dma_wait3A_422 = tpu.memref_slice %arg4[%add3A_71, %dma_wait3A_421] : memref<106496x128xf32, #tpu.memory_space<hbm>> -> memref<128x128xf32, #tpu.memory_space<hbm>>
      %dma_wait3A_423 = arith.constant 0 : i32
      %dma_wait3A_424 = tpu.memref_slice %arg4[%add3A_71, %dma_wait3A_423] : memref<106496x128xf32, #tpu.memory_space<hbm>> -> memref<128x128xf32, #tpu.memory_space<hbm>>
      tpu.wait_dma2 semaphore(%run_scoped3A : memref<!tpu.dma_semaphore, #tpu.memory_space<semaphore_mem>>) src(%arg7 : memref<128x128xf32, #tpu.memory_space<vmem>>) dst(%dma_wait3A_424 : memref<128x128xf32, #tpu.memory_space<hbm>>)
      tpu.yield
    }) : () -> ()
    %dma_start3A_72 = arith.constant 5 : i32
    %dma_start3A_73 = arith.constant 0 : i32
    %dma_start3A_74 = tpu.memref_slice %arg5[%dma_start3A_72, %dma_start3A_73] : memref<26x128xi32, #tpu.memory_space<vmem>> -> memref<1x128xi32, #tpu.memory_space<vmem>>
    %dma_start3A_75 = tpu.memref_squeeze %dma_start3A_74 : memref<1x128xi32, #tpu.memory_space<vmem>> -> memref<128xi32, #tpu.memory_space<vmem>>
    %dma_start3A_76 = arith.constant 0 : i32
    %dma_start3A_77 = arith.constant 0 : i32
    %dma_start3A_78 = tpu.memref_slice %arg2[%dma_start3A_76, %dma_start3A_77] : memref<1300000x128xf32, #tpu.memory_space<hbm>> -> memref<1300000x128xf32, #tpu.memory_space<hbm>>
    tpu.enqueue_indirect_dma source(%dma_start3A_78 : memref<1300000x128xf32, #tpu.memory_space<hbm>>) target(%arg7 : memref<128x128xf32, #tpu.memory_space<vmem>>) offsets(%dma_start3A_75 : memref<128xi32, #tpu.memory_space<vmem>>) semaphore(%arg9 : memref<!tpu.dma_semaphore, #tpu.memory_space<semaphore_mem>>)
    %dma_wait3A_79 = arith.constant 4 : i32
    %dma_wait3A_80 = arith.constant 0 : i32
    %dma_wait3A_81 = tpu.memref_slice %arg5[%dma_wait3A_79, %dma_wait3A_80] : memref<26x128xi32, #tpu.memory_space<vmem>> -> memref<1x128xi32, #tpu.memory_space<vmem>>
    %dma_wait3A_82 = tpu.memref_squeeze %dma_wait3A_81 : memref<1x128xi32, #tpu.memory_space<vmem>> -> memref<128xi32, #tpu.memory_space<vmem>>
    %dma_wait3A_83 = arith.constant 0 : i32
    %dma_wait3A_84 = arith.constant 0 : i32
    %dma_wait3A_85 = tpu.memref_slice %arg2[%dma_wait3A_83, %dma_wait3A_84] : memref<1300000x128xf32, #tpu.memory_space<hbm>> -> memref<1300000x128xf32, #tpu.memory_space<hbm>>
    tpu.wait_indirect_dma semaphore(%arg8 : memref<!tpu.dma_semaphore, #tpu.memory_space<semaphore_mem>>) src(%dma_wait3A_85 : memref<1300000x128xf32, #tpu.memory_space<hbm>>) dst(%arg6 : memref<128x128xf32, #tpu.memory_space<vmem>>)
    %add3A_86 = arith.constant 512 : i32
    %add3A_87 = arith.addi %mul3A_2, %add3A_86 : i32
    "tpu.region"() ({
      %run_scoped3A = tpu.sem_alloc : memref<!tpu.dma_semaphore, #tpu.memory_space<semaphore_mem>>
      %dma_start3A_417 = arith.constant 0 : i32
      %dma_start3A_418 = tpu.memref_slice %arg4[%add3A_87, %dma_start3A_417] : memref<106496x128xf32, #tpu.memory_space<hbm>> -> memref<128x128xf32, #tpu.memory_space<hbm>>
      %dma_start3A_419 = arith.constant 0 : i32
      %dma_start3A_420 = tpu.memref_slice %arg4[%add3A_87, %dma_start3A_419] : memref<106496x128xf32, #tpu.memory_space<hbm>> -> memref<128x128xf32, #tpu.memory_space<hbm>>
      tpu.enqueue_dma source(%arg6 : memref<128x128xf32, #tpu.memory_space<vmem>>) target(%dma_start3A_420 : memref<128x128xf32, #tpu.memory_space<hbm>>) target_semaphore(%run_scoped3A : memref<!tpu.dma_semaphore, #tpu.memory_space<semaphore_mem>>)
      %dma_wait3A_421 = arith.constant 0 : i32
      %dma_wait3A_422 = tpu.memref_slice %arg4[%add3A_87, %dma_wait3A_421] : memref<106496x128xf32, #tpu.memory_space<hbm>> -> memref<128x128xf32, #tpu.memory_space<hbm>>
      %dma_wait3A_423 = arith.constant 0 : i32
      %dma_wait3A_424 = tpu.memref_slice %arg4[%add3A_87, %dma_wait3A_423] : memref<106496x128xf32, #tpu.memory_space<hbm>> -> memref<128x128xf32, #tpu.memory_space<hbm>>
      tpu.wait_dma2 semaphore(%run_scoped3A : memref<!tpu.dma_semaphore, #tpu.memory_space<semaphore_mem>>) src(%arg6 : memref<128x128xf32, #tpu.memory_space<vmem>>) dst(%dma_wait3A_424 : memref<128x128xf32, #tpu.memory_space<hbm>>)
      tpu.yield
    }) : () -> ()
    %dma_start3A_88 = arith.constant 6 : i32
    %dma_start3A_89 = arith.constant 0 : i32
    %dma_start3A_90 = tpu.memref_slice %arg5[%dma_start3A_88, %dma_start3A_89] : memref<26x128xi32, #tpu.memory_space<vmem>> -> memref<1x128xi32, #tpu.memory_space<vmem>>
    %dma_start3A_91 = tpu.memref_squeeze %dma_start3A_90 : memref<1x128xi32, #tpu.memory_space<vmem>> -> memref<128xi32, #tpu.memory_space<vmem>>
    %dma_start3A_92 = arith.constant 0 : i32
    %dma_start3A_93 = arith.constant 0 : i32
    %dma_start3A_94 = tpu.memref_slice %arg2[%dma_start3A_92, %dma_start3A_93] : memref<1300000x128xf32, #tpu.memory_space<hbm>> -> memref<1300000x128xf32, #tpu.memory_space<hbm>>
    tpu.enqueue_indirect_dma source(%dma_start3A_94 : memref<1300000x128xf32, #tpu.memory_space<hbm>>) target(%arg6 : memref<128x128xf32, #tpu.memory_space<vmem>>) offsets(%dma_start3A_91 : memref<128xi32, #tpu.memory_space<vmem>>) semaphore(%arg8 : memref<!tpu.dma_semaphore, #tpu.memory_space<semaphore_mem>>)
    %dma_wait3A_95 = arith.constant 5 : i32
    %dma_wait3A_96 = arith.constant 0 : i32
    %dma_wait3A_97 = tpu.memref_slice %arg5[%dma_wait3A_95, %dma_wait3A_96] : memref<26x128xi32, #tpu.memory_space<vmem>> -> memref<1x128xi32, #tpu.memory_space<vmem>>
    %dma_wait3A_98 = tpu.memref_squeeze %dma_wait3A_97 : memref<1x128xi32, #tpu.memory_space<vmem>> -> memref<128xi32, #tpu.memory_space<vmem>>
    %dma_wait3A_99 = arith.constant 0 : i32
    %dma_wait3A_100 = arith.constant 0 : i32
    %dma_wait3A_101 = tpu.memref_slice %arg2[%dma_wait3A_99, %dma_wait3A_100] : memref<1300000x128xf32, #tpu.memory_space<hbm>> -> memref<1300000x128xf32, #tpu.memory_space<hbm>>
    tpu.wait_indirect_dma semaphore(%arg9 : memref<!tpu.dma_semaphore, #tpu.memory_space<semaphore_mem>>) src(%dma_wait3A_101 : memref<1300000x128xf32, #tpu.memory_space<hbm>>) dst(%arg7 : memref<128x128xf32, #tpu.memory_space<vmem>>)
    %add3A_102 = arith.constant 640 : i32
    %add3A_103 = arith.addi %mul3A_2, %add3A_102 : i32
    "tpu.region"() ({
      %run_scoped3A = tpu.sem_alloc : memref<!tpu.dma_semaphore, #tpu.memory_space<semaphore_mem>>
      %dma_start3A_417 = arith.constant 0 : i32
      %dma_start3A_418 = tpu.memref_slice %arg4[%add3A_103, %dma_start3A_417] : memref<106496x128xf32, #tpu.memory_space<hbm>> -> memref<128x128xf32, #tpu.memory_space<hbm>>
      %dma_start3A_419 = arith.constant 0 : i32
      %dma_start3A_420 = tpu.memref_slice %arg4[%add3A_103, %dma_start3A_419] : memref<106496x128xf32, #tpu.memory_space<hbm>> -> memref<128x128xf32, #tpu.memory_space<hbm>>
      tpu.enqueue_dma source(%arg7 : memref<128x128xf32, #tpu.memory_space<vmem>>) target(%dma_start3A_420 : memref<128x128xf32, #tpu.memory_space<hbm>>) target_semaphore(%run_scoped3A : memref<!tpu.dma_semaphore, #tpu.memory_space<semaphore_mem>>)
      %dma_wait3A_421 = arith.constant 0 : i32
      %dma_wait3A_422 = tpu.memref_slice %arg4[%add3A_103, %dma_wait3A_421] : memref<106496x128xf32, #tpu.memory_space<hbm>> -> memref<128x128xf32, #tpu.memory_space<hbm>>
      %dma_wait3A_423 = arith.constant 0 : i32
      %dma_wait3A_424 = tpu.memref_slice %arg4[%add3A_103, %dma_wait3A_423] : memref<106496x128xf32, #tpu.memory_space<hbm>> -> memref<128x128xf32, #tpu.memory_space<hbm>>
      tpu.wait_dma2 semaphore(%run_scoped3A : memref<!tpu.dma_semaphore, #tpu.memory_space<semaphore_mem>>) src(%arg7 : memref<128x128xf32, #tpu.memory_space<vmem>>) dst(%dma_wait3A_424 : memref<128x128xf32, #tpu.memory_space<hbm>>)
      tpu.yield
    }) : () -> ()
    %dma_start3A_104 = arith.constant 7 : i32
    %dma_start3A_105 = arith.constant 0 : i32
    %dma_start3A_106 = tpu.memref_slice %arg5[%dma_start3A_104, %dma_start3A_105] : memref<26x128xi32, #tpu.memory_space<vmem>> -> memref<1x128xi32, #tpu.memory_space<vmem>>
    %dma_start3A_107 = tpu.memref_squeeze %dma_start3A_106 : memref<1x128xi32, #tpu.memory_space<vmem>> -> memref<128xi32, #tpu.memory_space<vmem>>
    %dma_start3A_108 = arith.constant 0 : i32
    %dma_start3A_109 = arith.constant 0 : i32
    %dma_start3A_110 = tpu.memref_slice %arg2[%dma_start3A_108, %dma_start3A_109] : memref<1300000x128xf32, #tpu.memory_space<hbm>> -> memref<1300000x128xf32, #tpu.memory_space<hbm>>
    tpu.enqueue_indirect_dma source(%dma_start3A_110 : memref<1300000x128xf32, #tpu.memory_space<hbm>>) target(%arg7 : memref<128x128xf32, #tpu.memory_space<vmem>>) offsets(%dma_start3A_107 : memref<128xi32, #tpu.memory_space<vmem>>) semaphore(%arg9 : memref<!tpu.dma_semaphore, #tpu.memory_space<semaphore_mem>>)
    %dma_wait3A_111 = arith.constant 6 : i32
    %dma_wait3A_112 = arith.constant 0 : i32
    %dma_wait3A_113 = tpu.memref_slice %arg5[%dma_wait3A_111, %dma_wait3A_112] : memref<26x128xi32, #tpu.memory_space<vmem>> -> memref<1x128xi32, #tpu.memory_space<vmem>>
    %dma_wait3A_114 = tpu.memref_squeeze %dma_wait3A_113 : memref<1x128xi32, #tpu.memory_space<vmem>> -> memref<128xi32, #tpu.memory_space<vmem>>
    %dma_wait3A_115 = arith.constant 0 : i32
    %dma_wait3A_116 = arith.constant 0 : i32
    %dma_wait3A_117 = tpu.memref_slice %arg2[%dma_wait3A_115, %dma_wait3A_116] : memref<1300000x128xf32, #tpu.memory_space<hbm>> -> memref<1300000x128xf32, #tpu.memory_space<hbm>>
    tpu.wait_indirect_dma semaphore(%arg8 : memref<!tpu.dma_semaphore, #tpu.memory_space<semaphore_mem>>) src(%dma_wait3A_117 : memref<1300000x128xf32, #tpu.memory_space<hbm>>) dst(%arg6 : memref<128x128xf32, #tpu.memory_space<vmem>>)
    %add3A_118 = arith.constant 768 : i32
    %add3A_119 = arith.addi %mul3A_2, %add3A_118 : i32
    "tpu.region"() ({
      %run_scoped3A = tpu.sem_alloc : memref<!tpu.dma_semaphore, #tpu.memory_space<semaphore_mem>>
      %dma_start3A_417 = arith.constant 0 : i32
      %dma_start3A_418 = tpu.memref_slice %arg4[%add3A_119, %dma_start3A_417] : memref<106496x128xf32, #tpu.memory_space<hbm>> -> memref<128x128xf32, #tpu.memory_space<hbm>>
      %dma_start3A_419 = arith.constant 0 : i32
      %dma_start3A_420 = tpu.memref_slice %arg4[%add3A_119, %dma_start3A_419] : memref<106496x128xf32, #tpu.memory_space<hbm>> -> memref<128x128xf32, #tpu.memory_space<hbm>>
      tpu.enqueue_dma source(%arg6 : memref<128x128xf32, #tpu.memory_space<vmem>>) target(%dma_start3A_420 : memref<128x128xf32, #tpu.memory_space<hbm>>) target_semaphore(%run_scoped3A : memref<!tpu.dma_semaphore, #tpu.memory_space<semaphore_mem>>)
      %dma_wait3A_421 = arith.constant 0 : i32
      %dma_wait3A_422 = tpu.memref_slice %arg4[%add3A_119, %dma_wait3A_421] : memref<106496x128xf32, #tpu.memory_space<hbm>> -> memref<128x128xf32, #tpu.memory_space<hbm>>
      %dma_wait3A_423 = arith.constant 0 : i32
      %dma_wait3A_424 = tpu.memref_slice %arg4[%add3A_119, %dma_wait3A_423] : memref<106496x128xf32, #tpu.memory_space<hbm>> -> memref<128x128xf32, #tpu.memory_space<hbm>>
      tpu.wait_dma2 semaphore(%run_scoped3A : memref<!tpu.dma_semaphore, #tpu.memory_space<semaphore_mem>>) src(%arg6 : memref<128x128xf32, #tpu.memory_space<vmem>>) dst(%dma_wait3A_424 : memref<128x128xf32, #tpu.memory_space<hbm>>)
      tpu.yield
    }) : () -> ()
    %dma_start3A_120 = arith.constant 8 : i32
    %dma_start3A_121 = arith.constant 0 : i32
    %dma_start3A_122 = tpu.memref_slice %arg5[%dma_start3A_120, %dma_start3A_121] : memref<26x128xi32, #tpu.memory_space<vmem>> -> memref<1x128xi32, #tpu.memory_space<vmem>>
    %dma_start3A_123 = tpu.memref_squeeze %dma_start3A_122 : memref<1x128xi32, #tpu.memory_space<vmem>> -> memref<128xi32, #tpu.memory_space<vmem>>
    %dma_start3A_124 = arith.constant 0 : i32
    %dma_start3A_125 = arith.constant 0 : i32
    %dma_start3A_126 = tpu.memref_slice %arg2[%dma_start3A_124, %dma_start3A_125] : memref<1300000x128xf32, #tpu.memory_space<hbm>> -> memref<1300000x128xf32, #tpu.memory_space<hbm>>
    tpu.enqueue_indirect_dma source(%dma_start3A_126 : memref<1300000x128xf32, #tpu.memory_space<hbm>>) target(%arg6 : memref<128x128xf32, #tpu.memory_space<vmem>>) offsets(%dma_start3A_123 : memref<128xi32, #tpu.memory_space<vmem>>) semaphore(%arg8 : memref<!tpu.dma_semaphore, #tpu.memory_space<semaphore_mem>>)
    %dma_wait3A_127 = arith.constant 7 : i32
    %dma_wait3A_128 = arith.constant 0 : i32
    %dma_wait3A_129 = tpu.memref_slice %arg5[%dma_wait3A_127, %dma_wait3A_128] : memref<26x128xi32, #tpu.memory_space<vmem>> -> memref<1x128xi32, #tpu.memory_space<vmem>>
    %dma_wait3A_130 = tpu.memref_squeeze %dma_wait3A_129 : memref<1x128xi32, #tpu.memory_space<vmem>> -> memref<128xi32, #tpu.memory_space<vmem>>
    %dma_wait3A_131 = arith.constant 0 : i32
    %dma_wait3A_132 = arith.constant 0 : i32
    %dma_wait3A_133 = tpu.memref_slice %arg2[%dma_wait3A_131, %dma_wait3A_132] : memref<1300000x128xf32, #tpu.memory_space<hbm>> -> memref<1300000x128xf32, #tpu.memory_space<hbm>>
    tpu.wait_indirect_dma semaphore(%arg9 : memref<!tpu.dma_semaphore, #tpu.memory_space<semaphore_mem>>) src(%dma_wait3A_133 : memref<1300000x128xf32, #tpu.memory_space<hbm>>) dst(%arg7 : memref<128x128xf32, #tpu.memory_space<vmem>>)
    %add3A_134 = arith.constant 896 : i32
    %add3A_135 = arith.addi %mul3A_2, %add3A_134 : i32
    "tpu.region"() ({
      %run_scoped3A = tpu.sem_alloc : memref<!tpu.dma_semaphore, #tpu.memory_space<semaphore_mem>>
      %dma_start3A_417 = arith.constant 0 : i32
      %dma_start3A_418 = tpu.memref_slice %arg4[%add3A_135, %dma_start3A_417] : memref<106496x128xf32, #tpu.memory_space<hbm>> -> memref<128x128xf32, #tpu.memory_space<hbm>>
      %dma_start3A_419 = arith.constant 0 : i32
      %dma_start3A_420 = tpu.memref_slice %arg4[%add3A_135, %dma_start3A_419] : memref<106496x128xf32, #tpu.memory_space<hbm>> -> memref<128x128xf32, #tpu.memory_space<hbm>>
      tpu.enqueue_dma source(%arg7 : memref<128x128xf32, #tpu.memory_space<vmem>>) target(%dma_start3A_420 : memref<128x128xf32, #tpu.memory_space<hbm>>) target_semaphore(%run_scoped3A : memref<!tpu.dma_semaphore, #tpu.memory_space<semaphore_mem>>)
      %dma_wait3A_421 = arith.constant 0 : i32
      %dma_wait3A_422 = tpu.memref_slice %arg4[%add3A_135, %dma_wait3A_421] : memref<106496x128xf32, #tpu.memory_space<hbm>> -> memref<128x128xf32, #tpu.memory_space<hbm>>
      %dma_wait3A_423 = arith.constant 0 : i32
      %dma_wait3A_424 = tpu.memref_slice %arg4[%add3A_135, %dma_wait3A_423] : memref<106496x128xf32, #tpu.memory_space<hbm>> -> memref<128x128xf32, #tpu.memory_space<hbm>>
      tpu.wait_dma2 semaphore(%run_scoped3A : memref<!tpu.dma_semaphore, #tpu.memory_space<semaphore_mem>>) src(%arg7 : memref<128x128xf32, #tpu.memory_space<vmem>>) dst(%dma_wait3A_424 : memref<128x128xf32, #tpu.memory_space<hbm>>)
      tpu.yield
    }) : () -> ()
    %dma_start3A_136 = arith.constant 9 : i32
    %dma_start3A_137 = arith.constant 0 : i32
    %dma_start3A_138 = tpu.memref_slice %arg5[%dma_start3A_136, %dma_start3A_137] : memref<26x128xi32, #tpu.memory_space<vmem>> -> memref<1x128xi32, #tpu.memory_space<vmem>>
    %dma_start3A_139 = tpu.memref_squeeze %dma_start3A_138 : memref<1x128xi32, #tpu.memory_space<vmem>> -> memref<128xi32, #tpu.memory_space<vmem>>
    %dma_start3A_140 = arith.constant 0 : i32
    %dma_start3A_141 = arith.constant 0 : i32
    %dma_start3A_142 = tpu.memref_slice %arg2[%dma_start3A_140, %dma_start3A_141] : memref<1300000x128xf32, #tpu.memory_space<hbm>> -> memref<1300000x128xf32, #tpu.memory_space<hbm>>
    tpu.enqueue_indirect_dma source(%dma_start3A_142 : memref<1300000x128xf32, #tpu.memory_space<hbm>>) target(%arg7 : memref<128x128xf32, #tpu.memory_space<vmem>>) offsets(%dma_start3A_139 : memref<128xi32, #tpu.memory_space<vmem>>) semaphore(%arg9 : memref<!tpu.dma_semaphore, #tpu.memory_space<semaphore_mem>>)
    %dma_wait3A_143 = arith.constant 8 : i32
    %dma_wait3A_144 = arith.constant 0 : i32
    %dma_wait3A_145 = tpu.memref_slice %arg5[%dma_wait3A_143, %dma_wait3A_144] : memref<26x128xi32, #tpu.memory_space<vmem>> -> memref<1x128xi32, #tpu.memory_space<vmem>>
    %dma_wait3A_146 = tpu.memref_squeeze %dma_wait3A_145 : memref<1x128xi32, #tpu.memory_space<vmem>> -> memref<128xi32, #tpu.memory_space<vmem>>
    %dma_wait3A_147 = arith.constant 0 : i32
    %dma_wait3A_148 = arith.constant 0 : i32
    %dma_wait3A_149 = tpu.memref_slice %arg2[%dma_wait3A_147, %dma_wait3A_148] : memref<1300000x128xf32, #tpu.memory_space<hbm>> -> memref<1300000x128xf32, #tpu.memory_space<hbm>>
    tpu.wait_indirect_dma semaphore(%arg8 : memref<!tpu.dma_semaphore, #tpu.memory_space<semaphore_mem>>) src(%dma_wait3A_149 : memref<1300000x128xf32, #tpu.memory_space<hbm>>) dst(%arg6 : memref<128x128xf32, #tpu.memory_space<vmem>>)
    %add3A_150 = arith.constant 1024 : i32
    %add3A_151 = arith.addi %mul3A_2, %add3A_150 : i32
    "tpu.region"() ({
      %run_scoped3A = tpu.sem_alloc : memref<!tpu.dma_semaphore, #tpu.memory_space<semaphore_mem>>
      %dma_start3A_417 = arith.constant 0 : i32
      %dma_start3A_418 = tpu.memref_slice %arg4[%add3A_151, %dma_start3A_417] : memref<106496x128xf32, #tpu.memory_space<hbm>> -> memref<128x128xf32, #tpu.memory_space<hbm>>
      %dma_start3A_419 = arith.constant 0 : i32
      %dma_start3A_420 = tpu.memref_slice %arg4[%add3A_151, %dma_start3A_419] : memref<106496x128xf32, #tpu.memory_space<hbm>> -> memref<128x128xf32, #tpu.memory_space<hbm>>
      tpu.enqueue_dma source(%arg6 : memref<128x128xf32, #tpu.memory_space<vmem>>) target(%dma_start3A_420 : memref<128x128xf32, #tpu.memory_space<hbm>>) target_semaphore(%run_scoped3A : memref<!tpu.dma_semaphore, #tpu.memory_space<semaphore_mem>>)
      %dma_wait3A_421 = arith.constant 0 : i32
      %dma_wait3A_422 = tpu.memref_slice %arg4[%add3A_151, %dma_wait3A_421] : memref<106496x128xf32, #tpu.memory_space<hbm>> -> memref<128x128xf32, #tpu.memory_space<hbm>>
      %dma_wait3A_423 = arith.constant 0 : i32
      %dma_wait3A_424 = tpu.memref_slice %arg4[%add3A_151, %dma_wait3A_423] : memref<106496x128xf32, #tpu.memory_space<hbm>> -> memref<128x128xf32, #tpu.memory_space<hbm>>
      tpu.wait_dma2 semaphore(%run_scoped3A : memref<!tpu.dma_semaphore, #tpu.memory_space<semaphore_mem>>) src(%arg6 : memref<128x128xf32, #tpu.memory_space<vmem>>) dst(%dma_wait3A_424 : memref<128x128xf32, #tpu.memory_space<hbm>>)
      tpu.yield
    }) : () -> ()
    %dma_start3A_152 = arith.constant 10 : i32
    %dma_start3A_153 = arith.constant 0 : i32
    %dma_start3A_154 = tpu.memref_slice %arg5[%dma_start3A_152, %dma_start3A_153] : memref<26x128xi32, #tpu.memory_space<vmem>> -> memref<1x128xi32, #tpu.memory_space<vmem>>
    %dma_start3A_155 = tpu.memref_squeeze %dma_start3A_154 : memref<1x128xi32, #tpu.memory_space<vmem>> -> memref<128xi32, #tpu.memory_space<vmem>>
    %dma_start3A_156 = arith.constant 0 : i32
    %dma_start3A_157 = arith.constant 0 : i32
    %dma_start3A_158 = tpu.memref_slice %arg2[%dma_start3A_156, %dma_start3A_157] : memref<1300000x128xf32, #tpu.memory_space<hbm>> -> memref<1300000x128xf32, #tpu.memory_space<hbm>>
    tpu.enqueue_indirect_dma source(%dma_start3A_158 : memref<1300000x128xf32, #tpu.memory_space<hbm>>) target(%arg6 : memref<128x128xf32, #tpu.memory_space<vmem>>) offsets(%dma_start3A_155 : memref<128xi32, #tpu.memory_space<vmem>>) semaphore(%arg8 : memref<!tpu.dma_semaphore, #tpu.memory_space<semaphore_mem>>)
    %dma_wait3A_159 = arith.constant 9 : i32
    %dma_wait3A_160 = arith.constant 0 : i32
    %dma_wait3A_161 = tpu.memref_slice %arg5[%dma_wait3A_159, %dma_wait3A_160] : memref<26x128xi32, #tpu.memory_space<vmem>> -> memref<1x128xi32, #tpu.memory_space<vmem>>
    %dma_wait3A_162 = tpu.memref_squeeze %dma_wait3A_161 : memref<1x128xi32, #tpu.memory_space<vmem>> -> memref<128xi32, #tpu.memory_space<vmem>>
    %dma_wait3A_163 = arith.constant 0 : i32
    %dma_wait3A_164 = arith.constant 0 : i32
    %dma_wait3A_165 = tpu.memref_slice %arg2[%dma_wait3A_163, %dma_wait3A_164] : memref<1300000x128xf32, #tpu.memory_space<hbm>> -> memref<1300000x128xf32, #tpu.memory_space<hbm>>
    tpu.wait_indirect_dma semaphore(%arg9 : memref<!tpu.dma_semaphore, #tpu.memory_space<semaphore_mem>>) src(%dma_wait3A_165 : memref<1300000x128xf32, #tpu.memory_space<hbm>>) dst(%arg7 : memref<128x128xf32, #tpu.memory_space<vmem>>)
    %add3A_166 = arith.constant 1152 : i32
    %add3A_167 = arith.addi %mul3A_2, %add3A_166 : i32
    "tpu.region"() ({
      %run_scoped3A = tpu.sem_alloc : memref<!tpu.dma_semaphore, #tpu.memory_space<semaphore_mem>>
      %dma_start3A_417 = arith.constant 0 : i32
      %dma_start3A_418 = tpu.memref_slice %arg4[%add3A_167, %dma_start3A_417] : memref<106496x128xf32, #tpu.memory_space<hbm>> -> memref<128x128xf32, #tpu.memory_space<hbm>>
      %dma_start3A_419 = arith.constant 0 : i32
      %dma_start3A_420 = tpu.memref_slice %arg4[%add3A_167, %dma_start3A_419] : memref<106496x128xf32, #tpu.memory_space<hbm>> -> memref<128x128xf32, #tpu.memory_space<hbm>>
      tpu.enqueue_dma source(%arg7 : memref<128x128xf32, #tpu.memory_space<vmem>>) target(%dma_start3A_420 : memref<128x128xf32, #tpu.memory_space<hbm>>) target_semaphore(%run_scoped3A : memref<!tpu.dma_semaphore, #tpu.memory_space<semaphore_mem>>)
      %dma_wait3A_421 = arith.constant 0 : i32
      %dma_wait3A_422 = tpu.memref_slice %arg4[%add3A_167, %dma_wait3A_421] : memref<106496x128xf32, #tpu.memory_space<hbm>> -> memref<128x128xf32, #tpu.memory_space<hbm>>
      %dma_wait3A_423 = arith.constant 0 : i32
      %dma_wait3A_424 = tpu.memref_slice %arg4[%add3A_167, %dma_wait3A_423] : memref<106496x128xf32, #tpu.memory_space<hbm>> -> memref<128x128xf32, #tpu.memory_space<hbm>>
      tpu.wait_dma2 semaphore(%run_scoped3A : memref<!tpu.dma_semaphore, #tpu.memory_space<semaphore_mem>>) src(%arg7 : memref<128x128xf32, #tpu.memory_space<vmem>>) dst(%dma_wait3A_424 : memref<128x128xf32, #tpu.memory_space<hbm>>)
      tpu.yield
    }) : () -> ()
    %dma_start3A_168 = arith.constant 11 : i32
    %dma_start3A_169 = arith.constant 0 : i32
    %dma_start3A_170 = tpu.memref_slice %arg5[%dma_start3A_168, %dma_start3A_169] : memref<26x128xi32, #tpu.memory_space<vmem>> -> memref<1x128xi32, #tpu.memory_space<vmem>>
    %dma_start3A_171 = tpu.memref_squeeze %dma_start3A_170 : memref<1x128xi32, #tpu.memory_space<vmem>> -> memref<128xi32, #tpu.memory_space<vmem>>
    %dma_start3A_172 = arith.constant 0 : i32
    %dma_start3A_173 = arith.constant 0 : i32
    %dma_start3A_174 = tpu.memref_slice %arg2[%dma_start3A_172, %dma_start3A_173] : memref<1300000x128xf32, #tpu.memory_space<hbm>> -> memref<1300000x128xf32, #tpu.memory_space<hbm>>
    tpu.enqueue_indirect_dma source(%dma_start3A_174 : memref<1300000x128xf32, #tpu.memory_space<hbm>>) target(%arg7 : memref<128x128xf32, #tpu.memory_space<vmem>>) offsets(%dma_start3A_171 : memref<128xi32, #tpu.memory_space<vmem>>) semaphore(%arg9 : memref<!tpu.dma_semaphore, #tpu.memory_space<semaphore_mem>>)
    %dma_wait3A_175 = arith.constant 10 : i32
    %dma_wait3A_176 = arith.constant 0 : i32
    %dma_wait3A_177 = tpu.memref_slice %arg5[%dma_wait3A_175, %dma_wait3A_176] : memref<26x128xi32, #tpu.memory_space<vmem>> -> memref<1x128xi32, #tpu.memory_space<vmem>>
    %dma_wait3A_178 = tpu.memref_squeeze %dma_wait3A_177 : memref<1x128xi32, #tpu.memory_space<vmem>> -> memref<128xi32, #tpu.memory_space<vmem>>
    %dma_wait3A_179 = arith.constant 0 : i32
    %dma_wait3A_180 = arith.constant 0 : i32
    %dma_wait3A_181 = tpu.memref_slice %arg2[%dma_wait3A_179, %dma_wait3A_180] : memref<1300000x128xf32, #tpu.memory_space<hbm>> -> memref<1300000x128xf32, #tpu.memory_space<hbm>>
    tpu.wait_indirect_dma semaphore(%arg8 : memref<!tpu.dma_semaphore, #tpu.memory_space<semaphore_mem>>) src(%dma_wait3A_181 : memref<1300000x128xf32, #tpu.memory_space<hbm>>) dst(%arg6 : memref<128x128xf32, #tpu.memory_space<vmem>>)
    %add3A_182 = arith.constant 1280 : i32
    %add3A_183 = arith.addi %mul3A_2, %add3A_182 : i32
    "tpu.region"() ({
      %run_scoped3A = tpu.sem_alloc : memref<!tpu.dma_semaphore, #tpu.memory_space<semaphore_mem>>
      %dma_start3A_417 = arith.constant 0 : i32
      %dma_start3A_418 = tpu.memref_slice %arg4[%add3A_183, %dma_start3A_417] : memref<106496x128xf32, #tpu.memory_space<hbm>> -> memref<128x128xf32, #tpu.memory_space<hbm>>
      %dma_start3A_419 = arith.constant 0 : i32
      %dma_start3A_420 = tpu.memref_slice %arg4[%add3A_183, %dma_start3A_419] : memref<106496x128xf32, #tpu.memory_space<hbm>> -> memref<128x128xf32, #tpu.memory_space<hbm>>
      tpu.enqueue_dma source(%arg6 : memref<128x128xf32, #tpu.memory_space<vmem>>) target(%dma_start3A_420 : memref<128x128xf32, #tpu.memory_space<hbm>>) target_semaphore(%run_scoped3A : memref<!tpu.dma_semaphore, #tpu.memory_space<semaphore_mem>>)
      %dma_wait3A_421 = arith.constant 0 : i32
      %dma_wait3A_422 = tpu.memref_slice %arg4[%add3A_183, %dma_wait3A_421] : memref<106496x128xf32, #tpu.memory_space<hbm>> -> memref<128x128xf32, #tpu.memory_space<hbm>>
      %dma_wait3A_423 = arith.constant 0 : i32
      %dma_wait3A_424 = tpu.memref_slice %arg4[%add3A_183, %dma_wait3A_423] : memref<106496x128xf32, #tpu.memory_space<hbm>> -> memref<128x128xf32, #tpu.memory_space<hbm>>
      tpu.wait_dma2 semaphore(%run_scoped3A : memref<!tpu.dma_semaphore, #tpu.memory_space<semaphore_mem>>) src(%arg6 : memref<128x128xf32, #tpu.memory_space<vmem>>) dst(%dma_wait3A_424 : memref<128x128xf32, #tpu.memory_space<hbm>>)
      tpu.yield
    }) : () -> ()
    %dma_start3A_184 = arith.constant 12 : i32
    %dma_start3A_185 = arith.constant 0 : i32
    %dma_start3A_186 = tpu.memref_slice %arg5[%dma_start3A_184, %dma_start3A_185] : memref<26x128xi32, #tpu.memory_space<vmem>> -> memref<1x128xi32, #tpu.memory_space<vmem>>
    %dma_start3A_187 = tpu.memref_squeeze %dma_start3A_186 : memref<1x128xi32, #tpu.memory_space<vmem>> -> memref<128xi32, #tpu.memory_space<vmem>>
    %dma_start3A_188 = arith.constant 0 : i32
    %dma_start3A_189 = arith.constant 0 : i32
    %dma_start3A_190 = tpu.memref_slice %arg2[%dma_start3A_188, %dma_start3A_189] : memref<1300000x128xf32, #tpu.memory_space<hbm>> -> memref<1300000x128xf32, #tpu.memory_space<hbm>>
    tpu.enqueue_indirect_dma source(%dma_start3A_190 : memref<1300000x128xf32, #tpu.memory_space<hbm>>) target(%arg6 : memref<128x128xf32, #tpu.memory_space<vmem>>) offsets(%dma_start3A_187 : memref<128xi32, #tpu.memory_space<vmem>>) semaphore(%arg8 : memref<!tpu.dma_semaphore, #tpu.memory_space<semaphore_mem>>)
    %dma_wait3A_191 = arith.constant 11 : i32
    %dma_wait3A_192 = arith.constant 0 : i32
    %dma_wait3A_193 = tpu.memref_slice %arg5[%dma_wait3A_191, %dma_wait3A_192] : memref<26x128xi32, #tpu.memory_space<vmem>> -> memref<1x128xi32, #tpu.memory_space<vmem>>
    %dma_wait3A_194 = tpu.memref_squeeze %dma_wait3A_193 : memref<1x128xi32, #tpu.memory_space<vmem>> -> memref<128xi32, #tpu.memory_space<vmem>>
    %dma_wait3A_195 = arith.constant 0 : i32
    %dma_wait3A_196 = arith.constant 0 : i32
    %dma_wait3A_197 = tpu.memref_slice %arg2[%dma_wait3A_195, %dma_wait3A_196] : memref<1300000x128xf32, #tpu.memory_space<hbm>> -> memref<1300000x128xf32, #tpu.memory_space<hbm>>
    tpu.wait_indirect_dma semaphore(%arg9 : memref<!tpu.dma_semaphore, #tpu.memory_space<semaphore_mem>>) src(%dma_wait3A_197 : memref<1300000x128xf32, #tpu.memory_space<hbm>>) dst(%arg7 : memref<128x128xf32, #tpu.memory_space<vmem>>)
    %add3A_198 = arith.constant 1408 : i32
    %add3A_199 = arith.addi %mul3A_2, %add3A_198 : i32
    "tpu.region"() ({
      %run_scoped3A = tpu.sem_alloc : memref<!tpu.dma_semaphore, #tpu.memory_space<semaphore_mem>>
      %dma_start3A_417 = arith.constant 0 : i32
      %dma_start3A_418 = tpu.memref_slice %arg4[%add3A_199, %dma_start3A_417] : memref<106496x128xf32, #tpu.memory_space<hbm>> -> memref<128x128xf32, #tpu.memory_space<hbm>>
      %dma_start3A_419 = arith.constant 0 : i32
      %dma_start3A_420 = tpu.memref_slice %arg4[%add3A_199, %dma_start3A_419] : memref<106496x128xf32, #tpu.memory_space<hbm>> -> memref<128x128xf32, #tpu.memory_space<hbm>>
      tpu.enqueue_dma source(%arg7 : memref<128x128xf32, #tpu.memory_space<vmem>>) target(%dma_start3A_420 : memref<128x128xf32, #tpu.memory_space<hbm>>) target_semaphore(%run_scoped3A : memref<!tpu.dma_semaphore, #tpu.memory_space<semaphore_mem>>)
      %dma_wait3A_421 = arith.constant 0 : i32
      %dma_wait3A_422 = tpu.memref_slice %arg4[%add3A_199, %dma_wait3A_421] : memref<106496x128xf32, #tpu.memory_space<hbm>> -> memref<128x128xf32, #tpu.memory_space<hbm>>
      %dma_wait3A_423 = arith.constant 0 : i32
      %dma_wait3A_424 = tpu.memref_slice %arg4[%add3A_199, %dma_wait3A_423] : memref<106496x128xf32, #tpu.memory_space<hbm>> -> memref<128x128xf32, #tpu.memory_space<hbm>>
      tpu.wait_dma2 semaphore(%run_scoped3A : memref<!tpu.dma_semaphore, #tpu.memory_space<semaphore_mem>>) src(%arg7 : memref<128x128xf32, #tpu.memory_space<vmem>>) dst(%dma_wait3A_424 : memref<128x128xf32, #tpu.memory_space<hbm>>)
      tpu.yield
    }) : () -> ()
    %dma_start3A_200 = arith.constant 13 : i32
    %dma_start3A_201 = arith.constant 0 : i32
    %dma_start3A_202 = tpu.memref_slice %arg5[%dma_start3A_200, %dma_start3A_201] : memref<26x128xi32, #tpu.memory_space<vmem>> -> memref<1x128xi32, #tpu.memory_space<vmem>>
    %dma_start3A_203 = tpu.memref_squeeze %dma_start3A_202 : memref<1x128xi32, #tpu.memory_space<vmem>> -> memref<128xi32, #tpu.memory_space<vmem>>
    %dma_start3A_204 = arith.constant 0 : i32
    %dma_start3A_205 = arith.constant 0 : i32
    %dma_start3A_206 = tpu.memref_slice %arg2[%dma_start3A_204, %dma_start3A_205] : memref<1300000x128xf32, #tpu.memory_space<hbm>> -> memref<1300000x128xf32, #tpu.memory_space<hbm>>
    tpu.enqueue_indirect_dma source(%dma_start3A_206 : memref<1300000x128xf32, #tpu.memory_space<hbm>>) target(%arg7 : memref<128x128xf32, #tpu.memory_space<vmem>>) offsets(%dma_start3A_203 : memref<128xi32, #tpu.memory_space<vmem>>) semaphore(%arg9 : memref<!tpu.dma_semaphore, #tpu.memory_space<semaphore_mem>>)
    %dma_wait3A_207 = arith.constant 12 : i32
    %dma_wait3A_208 = arith.constant 0 : i32
    %dma_wait3A_209 = tpu.memref_slice %arg5[%dma_wait3A_207, %dma_wait3A_208] : memref<26x128xi32, #tpu.memory_space<vmem>> -> memref<1x128xi32, #tpu.memory_space<vmem>>
    %dma_wait3A_210 = tpu.memref_squeeze %dma_wait3A_209 : memref<1x128xi32, #tpu.memory_space<vmem>> -> memref<128xi32, #tpu.memory_space<vmem>>
    %dma_wait3A_211 = arith.constant 0 : i32
    %dma_wait3A_212 = arith.constant 0 : i32
    %dma_wait3A_213 = tpu.memref_slice %arg2[%dma_wait3A_211, %dma_wait3A_212] : memref<1300000x128xf32, #tpu.memory_space<hbm>> -> memref<1300000x128xf32, #tpu.memory_space<hbm>>
    tpu.wait_indirect_dma semaphore(%arg8 : memref<!tpu.dma_semaphore, #tpu.memory_space<semaphore_mem>>) src(%dma_wait3A_213 : memref<1300000x128xf32, #tpu.memory_space<hbm>>) dst(%arg6 : memref<128x128xf32, #tpu.memory_space<vmem>>)
    %add3A_214 = arith.constant 1536 : i32
    %add3A_215 = arith.addi %mul3A_2, %add3A_214 : i32
    "tpu.region"() ({
      %run_scoped3A = tpu.sem_alloc : memref<!tpu.dma_semaphore, #tpu.memory_space<semaphore_mem>>
      %dma_start3A_417 = arith.constant 0 : i32
      %dma_start3A_418 = tpu.memref_slice %arg4[%add3A_215, %dma_start3A_417] : memref<106496x128xf32, #tpu.memory_space<hbm>> -> memref<128x128xf32, #tpu.memory_space<hbm>>
      %dma_start3A_419 = arith.constant 0 : i32
      %dma_start3A_420 = tpu.memref_slice %arg4[%add3A_215, %dma_start3A_419] : memref<106496x128xf32, #tpu.memory_space<hbm>> -> memref<128x128xf32, #tpu.memory_space<hbm>>
      tpu.enqueue_dma source(%arg6 : memref<128x128xf32, #tpu.memory_space<vmem>>) target(%dma_start3A_420 : memref<128x128xf32, #tpu.memory_space<hbm>>) target_semaphore(%run_scoped3A : memref<!tpu.dma_semaphore, #tpu.memory_space<semaphore_mem>>)
      %dma_wait3A_421 = arith.constant 0 : i32
      %dma_wait3A_422 = tpu.memref_slice %arg4[%add3A_215, %dma_wait3A_421] : memref<106496x128xf32, #tpu.memory_space<hbm>> -> memref<128x128xf32, #tpu.memory_space<hbm>>
      %dma_wait3A_423 = arith.constant 0 : i32
      %dma_wait3A_424 = tpu.memref_slice %arg4[%add3A_215, %dma_wait3A_423] : memref<106496x128xf32, #tpu.memory_space<hbm>> -> memref<128x128xf32, #tpu.memory_space<hbm>>
      tpu.wait_dma2 semaphore(%run_scoped3A : memref<!tpu.dma_semaphore, #tpu.memory_space<semaphore_mem>>) src(%arg6 : memref<128x128xf32, #tpu.memory_space<vmem>>) dst(%dma_wait3A_424 : memref<128x128xf32, #tpu.memory_space<hbm>>)
      tpu.yield
    }) : () -> ()
    %dma_start3A_216 = arith.constant 14 : i32
    %dma_start3A_217 = arith.constant 0 : i32
    %dma_start3A_218 = tpu.memref_slice %arg5[%dma_start3A_216, %dma_start3A_217] : memref<26x128xi32, #tpu.memory_space<vmem>> -> memref<1x128xi32, #tpu.memory_space<vmem>>
    %dma_start3A_219 = tpu.memref_squeeze %dma_start3A_218 : memref<1x128xi32, #tpu.memory_space<vmem>> -> memref<128xi32, #tpu.memory_space<vmem>>
    %dma_start3A_220 = arith.constant 0 : i32
    %dma_start3A_221 = arith.constant 0 : i32
    %dma_start3A_222 = tpu.memref_slice %arg2[%dma_start3A_220, %dma_start3A_221] : memref<1300000x128xf32, #tpu.memory_space<hbm>> -> memref<1300000x128xf32, #tpu.memory_space<hbm>>
    tpu.enqueue_indirect_dma source(%dma_start3A_222 : memref<1300000x128xf32, #tpu.memory_space<hbm>>) target(%arg6 : memref<128x128xf32, #tpu.memory_space<vmem>>) offsets(%dma_start3A_219 : memref<128xi32, #tpu.memory_space<vmem>>) semaphore(%arg8 : memref<!tpu.dma_semaphore, #tpu.memory_space<semaphore_mem>>)
    %dma_wait3A_223 = arith.constant 13 : i32
    %dma_wait3A_224 = arith.constant 0 : i32
    %dma_wait3A_225 = tpu.memref_slice %arg5[%dma_wait3A_223, %dma_wait3A_224] : memref<26x128xi32, #tpu.memory_space<vmem>> -> memref<1x128xi32, #tpu.memory_space<vmem>>
    %dma_wait3A_226 = tpu.memref_squeeze %dma_wait3A_225 : memref<1x128xi32, #tpu.memory_space<vmem>> -> memref<128xi32, #tpu.memory_space<vmem>>
    %dma_wait3A_227 = arith.constant 0 : i32
    %dma_wait3A_228 = arith.constant 0 : i32
    %dma_wait3A_229 = tpu.memref_slice %arg2[%dma_wait3A_227, %dma_wait3A_228] : memref<1300000x128xf32, #tpu.memory_space<hbm>> -> memref<1300000x128xf32, #tpu.memory_space<hbm>>
    tpu.wait_indirect_dma semaphore(%arg9 : memref<!tpu.dma_semaphore, #tpu.memory_space<semaphore_mem>>) src(%dma_wait3A_229 : memref<1300000x128xf32, #tpu.memory_space<hbm>>) dst(%arg7 : memref<128x128xf32, #tpu.memory_space<vmem>>)
    %add3A_230 = arith.constant 1664 : i32
    %add3A_231 = arith.addi %mul3A_2, %add3A_230 : i32
    "tpu.region"() ({
      %run_scoped3A = tpu.sem_alloc : memref<!tpu.dma_semaphore, #tpu.memory_space<semaphore_mem>>
      %dma_start3A_417 = arith.constant 0 : i32
      %dma_start3A_418 = tpu.memref_slice %arg4[%add3A_231, %dma_start3A_417] : memref<106496x128xf32, #tpu.memory_space<hbm>> -> memref<128x128xf32, #tpu.memory_space<hbm>>
      %dma_start3A_419 = arith.constant 0 : i32
      %dma_start3A_420 = tpu.memref_slice %arg4[%add3A_231, %dma_start3A_419] : memref<106496x128xf32, #tpu.memory_space<hbm>> -> memref<128x128xf32, #tpu.memory_space<hbm>>
      tpu.enqueue_dma source(%arg7 : memref<128x128xf32, #tpu.memory_space<vmem>>) target(%dma_start3A_420 : memref<128x128xf32, #tpu.memory_space<hbm>>) target_semaphore(%run_scoped3A : memref<!tpu.dma_semaphore, #tpu.memory_space<semaphore_mem>>)
      %dma_wait3A_421 = arith.constant 0 : i32
      %dma_wait3A_422 = tpu.memref_slice %arg4[%add3A_231, %dma_wait3A_421] : memref<106496x128xf32, #tpu.memory_space<hbm>> -> memref<128x128xf32, #tpu.memory_space<hbm>>
      %dma_wait3A_423 = arith.constant 0 : i32
      %dma_wait3A_424 = tpu.memref_slice %arg4[%add3A_231, %dma_wait3A_423] : memref<106496x128xf32, #tpu.memory_space<hbm>> -> memref<128x128xf32, #tpu.memory_space<hbm>>
      tpu.wait_dma2 semaphore(%run_scoped3A : memref<!tpu.dma_semaphore, #tpu.memory_space<semaphore_mem>>) src(%arg7 : memref<128x128xf32, #tpu.memory_space<vmem>>) dst(%dma_wait3A_424 : memref<128x128xf32, #tpu.memory_space<hbm>>)
      tpu.yield
    }) : () -> ()
    %dma_start3A_232 = arith.constant 15 : i32
    %dma_start3A_233 = arith.constant 0 : i32
    %dma_start3A_234 = tpu.memref_slice %arg5[%dma_start3A_232, %dma_start3A_233] : memref<26x128xi32, #tpu.memory_space<vmem>> -> memref<1x128xi32, #tpu.memory_space<vmem>>
    %dma_start3A_235 = tpu.memref_squeeze %dma_start3A_234 : memref<1x128xi32, #tpu.memory_space<vmem>> -> memref<128xi32, #tpu.memory_space<vmem>>
    %dma_start3A_236 = arith.constant 0 : i32
    %dma_start3A_237 = arith.constant 0 : i32
    %dma_start3A_238 = tpu.memref_slice %arg2[%dma_start3A_236, %dma_start3A_237] : memref<1300000x128xf32, #tpu.memory_space<hbm>> -> memref<1300000x128xf32, #tpu.memory_space<hbm>>
    tpu.enqueue_indirect_dma source(%dma_start3A_238 : memref<1300000x128xf32, #tpu.memory_space<hbm>>) target(%arg7 : memref<128x128xf32, #tpu.memory_space<vmem>>) offsets(%dma_start3A_235 : memref<128xi32, #tpu.memory_space<vmem>>) semaphore(%arg9 : memref<!tpu.dma_semaphore, #tpu.memory_space<semaphore_mem>>)
    %dma_wait3A_239 = arith.constant 14 : i32
    %dma_wait3A_240 = arith.constant 0 : i32
    %dma_wait3A_241 = tpu.memref_slice %arg5[%dma_wait3A_239, %dma_wait3A_240] : memref<26x128xi32, #tpu.memory_space<vmem>> -> memref<1x128xi32, #tpu.memory_space<vmem>>
    %dma_wait3A_242 = tpu.memref_squeeze %dma_wait3A_241 : memref<1x128xi32, #tpu.memory_space<vmem>> -> memref<128xi32, #tpu.memory_space<vmem>>
    %dma_wait3A_243 = arith.constant 0 : i32
    %dma_wait3A_244 = arith.constant 0 : i32
    %dma_wait3A_245 = tpu.memref_slice %arg2[%dma_wait3A_243, %dma_wait3A_244] : memref<1300000x128xf32, #tpu.memory_space<hbm>> -> memref<1300000x128xf32, #tpu.memory_space<hbm>>
    tpu.wait_indirect_dma semaphore(%arg8 : memref<!tpu.dma_semaphore, #tpu.memory_space<semaphore_mem>>) src(%dma_wait3A_245 : memref<1300000x128xf32, #tpu.memory_space<hbm>>) dst(%arg6 : memref<128x128xf32, #tpu.memory_space<vmem>>)
    %add3A_246 = arith.constant 1792 : i32
    %add3A_247 = arith.addi %mul3A_2, %add3A_246 : i32
    "tpu.region"() ({
      %run_scoped3A = tpu.sem_alloc : memref<!tpu.dma_semaphore, #tpu.memory_space<semaphore_mem>>
      %dma_start3A_417 = arith.constant 0 : i32
      %dma_start3A_418 = tpu.memref_slice %arg4[%add3A_247, %dma_start3A_417] : memref<106496x128xf32, #tpu.memory_space<hbm>> -> memref<128x128xf32, #tpu.memory_space<hbm>>
      %dma_start3A_419 = arith.constant 0 : i32
      %dma_start3A_420 = tpu.memref_slice %arg4[%add3A_247, %dma_start3A_419] : memref<106496x128xf32, #tpu.memory_space<hbm>> -> memref<128x128xf32, #tpu.memory_space<hbm>>
      tpu.enqueue_dma source(%arg6 : memref<128x128xf32, #tpu.memory_space<vmem>>) target(%dma_start3A_420 : memref<128x128xf32, #tpu.memory_space<hbm>>) target_semaphore(%run_scoped3A : memref<!tpu.dma_semaphore, #tpu.memory_space<semaphore_mem>>)
      %dma_wait3A_421 = arith.constant 0 : i32
      %dma_wait3A_422 = tpu.memref_slice %arg4[%add3A_247, %dma_wait3A_421] : memref<106496x128xf32, #tpu.memory_space<hbm>> -> memref<128x128xf32, #tpu.memory_space<hbm>>
      %dma_wait3A_423 = arith.constant 0 : i32
      %dma_wait3A_424 = tpu.memref_slice %arg4[%add3A_247, %dma_wait3A_423] : memref<106496x128xf32, #tpu.memory_space<hbm>> -> memref<128x128xf32, #tpu.memory_space<hbm>>
      tpu.wait_dma2 semaphore(%run_scoped3A : memref<!tpu.dma_semaphore, #tpu.memory_space<semaphore_mem>>) src(%arg6 : memref<128x128xf32, #tpu.memory_space<vmem>>) dst(%dma_wait3A_424 : memref<128x128xf32, #tpu.memory_space<hbm>>)
      tpu.yield
    }) : () -> ()
    %dma_start3A_248 = arith.constant 16 : i32
    %dma_start3A_249 = arith.constant 0 : i32
    %dma_start3A_250 = tpu.memref_slice %arg5[%dma_start3A_248, %dma_start3A_249] : memref<26x128xi32, #tpu.memory_space<vmem>> -> memref<1x128xi32, #tpu.memory_space<vmem>>
    %dma_start3A_251 = tpu.memref_squeeze %dma_start3A_250 : memref<1x128xi32, #tpu.memory_space<vmem>> -> memref<128xi32, #tpu.memory_space<vmem>>
    %dma_start3A_252 = arith.constant 0 : i32
    %dma_start3A_253 = arith.constant 0 : i32
    %dma_start3A_254 = tpu.memref_slice %arg2[%dma_start3A_252, %dma_start3A_253] : memref<1300000x128xf32, #tpu.memory_space<hbm>> -> memref<1300000x128xf32, #tpu.memory_space<hbm>>
    tpu.enqueue_indirect_dma source(%dma_start3A_254 : memref<1300000x128xf32, #tpu.memory_space<hbm>>) target(%arg6 : memref<128x128xf32, #tpu.memory_space<vmem>>) offsets(%dma_start3A_251 : memref<128xi32, #tpu.memory_space<vmem>>) semaphore(%arg8 : memref<!tpu.dma_semaphore, #tpu.memory_space<semaphore_mem>>)
    %dma_wait3A_255 = arith.constant 15 : i32
    %dma_wait3A_256 = arith.constant 0 : i32
    %dma_wait3A_257 = tpu.memref_slice %arg5[%dma_wait3A_255, %dma_wait3A_256] : memref<26x128xi32, #tpu.memory_space<vmem>> -> memref<1x128xi32, #tpu.memory_space<vmem>>
    %dma_wait3A_258 = tpu.memref_squeeze %dma_wait3A_257 : memref<1x128xi32, #tpu.memory_space<vmem>> -> memref<128xi32, #tpu.memory_space<vmem>>
    %dma_wait3A_259 = arith.constant 0 : i32
    %dma_wait3A_260 = arith.constant 0 : i32
    %dma_wait3A_261 = tpu.memref_slice %arg2[%dma_wait3A_259, %dma_wait3A_260] : memref<1300000x128xf32, #tpu.memory_space<hbm>> -> memref<1300000x128xf32, #tpu.memory_space<hbm>>
    tpu.wait_indirect_dma semaphore(%arg9 : memref<!tpu.dma_semaphore, #tpu.memory_space<semaphore_mem>>) src(%dma_wait3A_261 : memref<1300000x128xf32, #tpu.memory_space<hbm>>) dst(%arg7 : memref<128x128xf32, #tpu.memory_space<vmem>>)
    %add3A_262 = arith.constant 1920 : i32
    %add3A_263 = arith.addi %mul3A_2, %add3A_262 : i32
    "tpu.region"() ({
      %run_scoped3A = tpu.sem_alloc : memref<!tpu.dma_semaphore, #tpu.memory_space<semaphore_mem>>
      %dma_start3A_417 = arith.constant 0 : i32
      %dma_start3A_418 = tpu.memref_slice %arg4[%add3A_263, %dma_start3A_417] : memref<106496x128xf32, #tpu.memory_space<hbm>> -> memref<128x128xf32, #tpu.memory_space<hbm>>
      %dma_start3A_419 = arith.constant 0 : i32
      %dma_start3A_420 = tpu.memref_slice %arg4[%add3A_263, %dma_start3A_419] : memref<106496x128xf32, #tpu.memory_space<hbm>> -> memref<128x128xf32, #tpu.memory_space<hbm>>
      tpu.enqueue_dma source(%arg7 : memref<128x128xf32, #tpu.memory_space<vmem>>) target(%dma_start3A_420 : memref<128x128xf32, #tpu.memory_space<hbm>>) target_semaphore(%run_scoped3A : memref<!tpu.dma_semaphore, #tpu.memory_space<semaphore_mem>>)
      %dma_wait3A_421 = arith.constant 0 : i32
      %dma_wait3A_422 = tpu.memref_slice %arg4[%add3A_263, %dma_wait3A_421] : memref<106496x128xf32, #tpu.memory_space<hbm>> -> memref<128x128xf32, #tpu.memory_space<hbm>>
      %dma_wait3A_423 = arith.constant 0 : i32
      %dma_wait3A_424 = tpu.memref_slice %arg4[%add3A_263, %dma_wait3A_423] : memref<106496x128xf32, #tpu.memory_space<hbm>> -> memref<128x128xf32, #tpu.memory_space<hbm>>
      tpu.wait_dma2 semaphore(%run_scoped3A : memref<!tpu.dma_semaphore, #tpu.memory_space<semaphore_mem>>) src(%arg7 : memref<128x128xf32, #tpu.memory_space<vmem>>) dst(%dma_wait3A_424 : memref<128x128xf32, #tpu.memory_space<hbm>>)
      tpu.yield
    }) : () -> ()
    %dma_start3A_264 = arith.constant 17 : i32
    %dma_start3A_265 = arith.constant 0 : i32
    %dma_start3A_266 = tpu.memref_slice %arg5[%dma_start3A_264, %dma_start3A_265] : memref<26x128xi32, #tpu.memory_space<vmem>> -> memref<1x128xi32, #tpu.memory_space<vmem>>
    %dma_start3A_267 = tpu.memref_squeeze %dma_start3A_266 : memref<1x128xi32, #tpu.memory_space<vmem>> -> memref<128xi32, #tpu.memory_space<vmem>>
    %dma_start3A_268 = arith.constant 0 : i32
    %dma_start3A_269 = arith.constant 0 : i32
    %dma_start3A_270 = tpu.memref_slice %arg2[%dma_start3A_268, %dma_start3A_269] : memref<1300000x128xf32, #tpu.memory_space<hbm>> -> memref<1300000x128xf32, #tpu.memory_space<hbm>>
    tpu.enqueue_indirect_dma source(%dma_start3A_270 : memref<1300000x128xf32, #tpu.memory_space<hbm>>) target(%arg7 : memref<128x128xf32, #tpu.memory_space<vmem>>) offsets(%dma_start3A_267 : memref<128xi32, #tpu.memory_space<vmem>>) semaphore(%arg9 : memref<!tpu.dma_semaphore, #tpu.memory_space<semaphore_mem>>)
    %dma_wait3A_271 = arith.constant 16 : i32
    %dma_wait3A_272 = arith.constant 0 : i32
    %dma_wait3A_273 = tpu.memref_slice %arg5[%dma_wait3A_271, %dma_wait3A_272] : memref<26x128xi32, #tpu.memory_space<vmem>> -> memref<1x128xi32, #tpu.memory_space<vmem>>
    %dma_wait3A_274 = tpu.memref_squeeze %dma_wait3A_273 : memref<1x128xi32, #tpu.memory_space<vmem>> -> memref<128xi32, #tpu.memory_space<vmem>>
    %dma_wait3A_275 = arith.constant 0 : i32
    %dma_wait3A_276 = arith.constant 0 : i32
    %dma_wait3A_277 = tpu.memref_slice %arg2[%dma_wait3A_275, %dma_wait3A_276] : memref<1300000x128xf32, #tpu.memory_space<hbm>> -> memref<1300000x128xf32, #tpu.memory_space<hbm>>
    tpu.wait_indirect_dma semaphore(%arg8 : memref<!tpu.dma_semaphore, #tpu.memory_space<semaphore_mem>>) src(%dma_wait3A_277 : memref<1300000x128xf32, #tpu.memory_space<hbm>>) dst(%arg6 : memref<128x128xf32, #tpu.memory_space<vmem>>)
    %add3A_278 = arith.constant 2048 : i32
    %add3A_279 = arith.addi %mul3A_2, %add3A_278 : i32
    "tpu.region"() ({
      %run_scoped3A = tpu.sem_alloc : memref<!tpu.dma_semaphore, #tpu.memory_space<semaphore_mem>>
      %dma_start3A_417 = arith.constant 0 : i32
      %dma_start3A_418 = tpu.memref_slice %arg4[%add3A_279, %dma_start3A_417] : memref<106496x128xf32, #tpu.memory_space<hbm>> -> memref<128x128xf32, #tpu.memory_space<hbm>>
      %dma_start3A_419 = arith.constant 0 : i32
      %dma_start3A_420 = tpu.memref_slice %arg4[%add3A_279, %dma_start3A_419] : memref<106496x128xf32, #tpu.memory_space<hbm>> -> memref<128x128xf32, #tpu.memory_space<hbm>>
      tpu.enqueue_dma source(%arg6 : memref<128x128xf32, #tpu.memory_space<vmem>>) target(%dma_start3A_420 : memref<128x128xf32, #tpu.memory_space<hbm>>) target_semaphore(%run_scoped3A : memref<!tpu.dma_semaphore, #tpu.memory_space<semaphore_mem>>)
      %dma_wait3A_421 = arith.constant 0 : i32
      %dma_wait3A_422 = tpu.memref_slice %arg4[%add3A_279, %dma_wait3A_421] : memref<106496x128xf32, #tpu.memory_space<hbm>> -> memref<128x128xf32, #tpu.memory_space<hbm>>
      %dma_wait3A_423 = arith.constant 0 : i32
      %dma_wait3A_424 = tpu.memref_slice %arg4[%add3A_279, %dma_wait3A_423] : memref<106496x128xf32, #tpu.memory_space<hbm>> -> memref<128x128xf32, #tpu.memory_space<hbm>>
      tpu.wait_dma2 semaphore(%run_scoped3A : memref<!tpu.dma_semaphore, #tpu.memory_space<semaphore_mem>>) src(%arg6 : memref<128x128xf32, #tpu.memory_space<vmem>>) dst(%dma_wait3A_424 : memref<128x128xf32, #tpu.memory_space<hbm>>)
      tpu.yield
    }) : () -> ()
    %dma_start3A_280 = arith.constant 18 : i32
    %dma_start3A_281 = arith.constant 0 : i32
    %dma_start3A_282 = tpu.memref_slice %arg5[%dma_start3A_280, %dma_start3A_281] : memref<26x128xi32, #tpu.memory_space<vmem>> -> memref<1x128xi32, #tpu.memory_space<vmem>>
    %dma_start3A_283 = tpu.memref_squeeze %dma_start3A_282 : memref<1x128xi32, #tpu.memory_space<vmem>> -> memref<128xi32, #tpu.memory_space<vmem>>
    %dma_start3A_284 = arith.constant 0 : i32
    %dma_start3A_285 = arith.constant 0 : i32
    %dma_start3A_286 = tpu.memref_slice %arg2[%dma_start3A_284, %dma_start3A_285] : memref<1300000x128xf32, #tpu.memory_space<hbm>> -> memref<1300000x128xf32, #tpu.memory_space<hbm>>
    tpu.enqueue_indirect_dma source(%dma_start3A_286 : memref<1300000x128xf32, #tpu.memory_space<hbm>>) target(%arg6 : memref<128x128xf32, #tpu.memory_space<vmem>>) offsets(%dma_start3A_283 : memref<128xi32, #tpu.memory_space<vmem>>) semaphore(%arg8 : memref<!tpu.dma_semaphore, #tpu.memory_space<semaphore_mem>>)
    %dma_wait3A_287 = arith.constant 17 : i32
    %dma_wait3A_288 = arith.constant 0 : i32
    %dma_wait3A_289 = tpu.memref_slice %arg5[%dma_wait3A_287, %dma_wait3A_288] : memref<26x128xi32, #tpu.memory_space<vmem>> -> memref<1x128xi32, #tpu.memory_space<vmem>>
    %dma_wait3A_290 = tpu.memref_squeeze %dma_wait3A_289 : memref<1x128xi32, #tpu.memory_space<vmem>> -> memref<128xi32, #tpu.memory_space<vmem>>
    %dma_wait3A_291 = arith.constant 0 : i32
    %dma_wait3A_292 = arith.constant 0 : i32
    %dma_wait3A_293 = tpu.memref_slice %arg2[%dma_wait3A_291, %dma_wait3A_292] : memref<1300000x128xf32, #tpu.memory_space<hbm>> -> memref<1300000x128xf32, #tpu.memory_space<hbm>>
    tpu.wait_indirect_dma semaphore(%arg9 : memref<!tpu.dma_semaphore, #tpu.memory_space<semaphore_mem>>) src(%dma_wait3A_293 : memref<1300000x128xf32, #tpu.memory_space<hbm>>) dst(%arg7 : memref<128x128xf32, #tpu.memory_space<vmem>>)
    %add3A_294 = arith.constant 2176 : i32
    %add3A_295 = arith.addi %mul3A_2, %add3A_294 : i32
    "tpu.region"() ({
      %run_scoped3A = tpu.sem_alloc : memref<!tpu.dma_semaphore, #tpu.memory_space<semaphore_mem>>
      %dma_start3A_417 = arith.constant 0 : i32
      %dma_start3A_418 = tpu.memref_slice %arg4[%add3A_295, %dma_start3A_417] : memref<106496x128xf32, #tpu.memory_space<hbm>> -> memref<128x128xf32, #tpu.memory_space<hbm>>
      %dma_start3A_419 = arith.constant 0 : i32
      %dma_start3A_420 = tpu.memref_slice %arg4[%add3A_295, %dma_start3A_419] : memref<106496x128xf32, #tpu.memory_space<hbm>> -> memref<128x128xf32, #tpu.memory_space<hbm>>
      tpu.enqueue_dma source(%arg7 : memref<128x128xf32, #tpu.memory_space<vmem>>) target(%dma_start3A_420 : memref<128x128xf32, #tpu.memory_space<hbm>>) target_semaphore(%run_scoped3A : memref<!tpu.dma_semaphore, #tpu.memory_space<semaphore_mem>>)
      %dma_wait3A_421 = arith.constant 0 : i32
      %dma_wait3A_422 = tpu.memref_slice %arg4[%add3A_295, %dma_wait3A_421] : memref<106496x128xf32, #tpu.memory_space<hbm>> -> memref<128x128xf32, #tpu.memory_space<hbm>>
      %dma_wait3A_423 = arith.constant 0 : i32
      %dma_wait3A_424 = tpu.memref_slice %arg4[%add3A_295, %dma_wait3A_423] : memref<106496x128xf32, #tpu.memory_space<hbm>> -> memref<128x128xf32, #tpu.memory_space<hbm>>
      tpu.wait_dma2 semaphore(%run_scoped3A : memref<!tpu.dma_semaphore, #tpu.memory_space<semaphore_mem>>) src(%arg7 : memref<128x128xf32, #tpu.memory_space<vmem>>) dst(%dma_wait3A_424 : memref<128x128xf32, #tpu.memory_space<hbm>>)
      tpu.yield
    }) : () -> ()
    %dma_start3A_296 = arith.constant 19 : i32
    %dma_start3A_297 = arith.constant 0 : i32
    %dma_start3A_298 = tpu.memref_slice %arg5[%dma_start3A_296, %dma_start3A_297] : memref<26x128xi32, #tpu.memory_space<vmem>> -> memref<1x128xi32, #tpu.memory_space<vmem>>
    %dma_start3A_299 = tpu.memref_squeeze %dma_start3A_298 : memref<1x128xi32, #tpu.memory_space<vmem>> -> memref<128xi32, #tpu.memory_space<vmem>>
    %dma_start3A_300 = arith.constant 0 : i32
    %dma_start3A_301 = arith.constant 0 : i32
    %dma_start3A_302 = tpu.memref_slice %arg2[%dma_start3A_300, %dma_start3A_301] : memref<1300000x128xf32, #tpu.memory_space<hbm>> -> memref<1300000x128xf32, #tpu.memory_space<hbm>>
    tpu.enqueue_indirect_dma source(%dma_start3A_302 : memref<1300000x128xf32, #tpu.memory_space<hbm>>) target(%arg7 : memref<128x128xf32, #tpu.memory_space<vmem>>) offsets(%dma_start3A_299 : memref<128xi32, #tpu.memory_space<vmem>>) semaphore(%arg9 : memref<!tpu.dma_semaphore, #tpu.memory_space<semaphore_mem>>)
    %dma_wait3A_303 = arith.constant 18 : i32
    %dma_wait3A_304 = arith.constant 0 : i32
    %dma_wait3A_305 = tpu.memref_slice %arg5[%dma_wait3A_303, %dma_wait3A_304] : memref<26x128xi32, #tpu.memory_space<vmem>> -> memref<1x128xi32, #tpu.memory_space<vmem>>
    %dma_wait3A_306 = tpu.memref_squeeze %dma_wait3A_305 : memref<1x128xi32, #tpu.memory_space<vmem>> -> memref<128xi32, #tpu.memory_space<vmem>>
    %dma_wait3A_307 = arith.constant 0 : i32
    %dma_wait3A_308 = arith.constant 0 : i32
    %dma_wait3A_309 = tpu.memref_slice %arg2[%dma_wait3A_307, %dma_wait3A_308] : memref<1300000x128xf32, #tpu.memory_space<hbm>> -> memref<1300000x128xf32, #tpu.memory_space<hbm>>
    tpu.wait_indirect_dma semaphore(%arg8 : memref<!tpu.dma_semaphore, #tpu.memory_space<semaphore_mem>>) src(%dma_wait3A_309 : memref<1300000x128xf32, #tpu.memory_space<hbm>>) dst(%arg6 : memref<128x128xf32, #tpu.memory_space<vmem>>)
    %add3A_310 = arith.constant 2304 : i32
    %add3A_311 = arith.addi %mul3A_2, %add3A_310 : i32
    "tpu.region"() ({
      %run_scoped3A = tpu.sem_alloc : memref<!tpu.dma_semaphore, #tpu.memory_space<semaphore_mem>>
      %dma_start3A_417 = arith.constant 0 : i32
      %dma_start3A_418 = tpu.memref_slice %arg4[%add3A_311, %dma_start3A_417] : memref<106496x128xf32, #tpu.memory_space<hbm>> -> memref<128x128xf32, #tpu.memory_space<hbm>>
      %dma_start3A_419 = arith.constant 0 : i32
      %dma_start3A_420 = tpu.memref_slice %arg4[%add3A_311, %dma_start3A_419] : memref<106496x128xf32, #tpu.memory_space<hbm>> -> memref<128x128xf32, #tpu.memory_space<hbm>>
      tpu.enqueue_dma source(%arg6 : memref<128x128xf32, #tpu.memory_space<vmem>>) target(%dma_start3A_420 : memref<128x128xf32, #tpu.memory_space<hbm>>) target_semaphore(%run_scoped3A : memref<!tpu.dma_semaphore, #tpu.memory_space<semaphore_mem>>)
      %dma_wait3A_421 = arith.constant 0 : i32
      %dma_wait3A_422 = tpu.memref_slice %arg4[%add3A_311, %dma_wait3A_421] : memref<106496x128xf32, #tpu.memory_space<hbm>> -> memref<128x128xf32, #tpu.memory_space<hbm>>
      %dma_wait3A_423 = arith.constant 0 : i32
      %dma_wait3A_424 = tpu.memref_slice %arg4[%add3A_311, %dma_wait3A_423] : memref<106496x128xf32, #tpu.memory_space<hbm>> -> memref<128x128xf32, #tpu.memory_space<hbm>>
      tpu.wait_dma2 semaphore(%run_scoped3A : memref<!tpu.dma_semaphore, #tpu.memory_space<semaphore_mem>>) src(%arg6 : memref<128x128xf32, #tpu.memory_space<vmem>>) dst(%dma_wait3A_424 : memref<128x128xf32, #tpu.memory_space<hbm>>)
      tpu.yield
    }) : () -> ()
    %dma_start3A_312 = arith.constant 20 : i32
    %dma_start3A_313 = arith.constant 0 : i32
    %dma_start3A_314 = tpu.memref_slice %arg5[%dma_start3A_312, %dma_start3A_313] : memref<26x128xi32, #tpu.memory_space<vmem>> -> memref<1x128xi32, #tpu.memory_space<vmem>>
    %dma_start3A_315 = tpu.memref_squeeze %dma_start3A_314 : memref<1x128xi32, #tpu.memory_space<vmem>> -> memref<128xi32, #tpu.memory_space<vmem>>
    %dma_start3A_316 = arith.constant 0 : i32
    %dma_start3A_317 = arith.constant 0 : i32
    %dma_start3A_318 = tpu.memref_slice %arg2[%dma_start3A_316, %dma_start3A_317] : memref<1300000x128xf32, #tpu.memory_space<hbm>> -> memref<1300000x128xf32, #tpu.memory_space<hbm>>
    tpu.enqueue_indirect_dma source(%dma_start3A_318 : memref<1300000x128xf32, #tpu.memory_space<hbm>>) target(%arg6 : memref<128x128xf32, #tpu.memory_space<vmem>>) offsets(%dma_start3A_315 : memref<128xi32, #tpu.memory_space<vmem>>) semaphore(%arg8 : memref<!tpu.dma_semaphore, #tpu.memory_space<semaphore_mem>>)
    %dma_wait3A_319 = arith.constant 19 : i32
    %dma_wait3A_320 = arith.constant 0 : i32
    %dma_wait3A_321 = tpu.memref_slice %arg5[%dma_wait3A_319, %dma_wait3A_320] : memref<26x128xi32, #tpu.memory_space<vmem>> -> memref<1x128xi32, #tpu.memory_space<vmem>>
    %dma_wait3A_322 = tpu.memref_squeeze %dma_wait3A_321 : memref<1x128xi32, #tpu.memory_space<vmem>> -> memref<128xi32, #tpu.memory_space<vmem>>
    %dma_wait3A_323 = arith.constant 0 : i32
    %dma_wait3A_324 = arith.constant 0 : i32
    %dma_wait3A_325 = tpu.memref_slice %arg2[%dma_wait3A_323, %dma_wait3A_324] : memref<1300000x128xf32, #tpu.memory_space<hbm>> -> memref<1300000x128xf32, #tpu.memory_space<hbm>>
    tpu.wait_indirect_dma semaphore(%arg9 : memref<!tpu.dma_semaphore, #tpu.memory_space<semaphore_mem>>) src(%dma_wait3A_325 : memref<1300000x128xf32, #tpu.memory_space<hbm>>) dst(%arg7 : memref<128x128xf32, #tpu.memory_space<vmem>>)
    %add3A_326 = arith.constant 2432 : i32
    %add3A_327 = arith.addi %mul3A_2, %add3A_326 : i32
    "tpu.region"() ({
      %run_scoped3A = tpu.sem_alloc : memref<!tpu.dma_semaphore, #tpu.memory_space<semaphore_mem>>
      %dma_start3A_417 = arith.constant 0 : i32
      %dma_start3A_418 = tpu.memref_slice %arg4[%add3A_327, %dma_start3A_417] : memref<106496x128xf32, #tpu.memory_space<hbm>> -> memref<128x128xf32, #tpu.memory_space<hbm>>
      %dma_start3A_419 = arith.constant 0 : i32
      %dma_start3A_420 = tpu.memref_slice %arg4[%add3A_327, %dma_start3A_419] : memref<106496x128xf32, #tpu.memory_space<hbm>> -> memref<128x128xf32, #tpu.memory_space<hbm>>
      tpu.enqueue_dma source(%arg7 : memref<128x128xf32, #tpu.memory_space<vmem>>) target(%dma_start3A_420 : memref<128x128xf32, #tpu.memory_space<hbm>>) target_semaphore(%run_scoped3A : memref<!tpu.dma_semaphore, #tpu.memory_space<semaphore_mem>>)
      %dma_wait3A_421 = arith.constant 0 : i32
      %dma_wait3A_422 = tpu.memref_slice %arg4[%add3A_327, %dma_wait3A_421] : memref<106496x128xf32, #tpu.memory_space<hbm>> -> memref<128x128xf32, #tpu.memory_space<hbm>>
      %dma_wait3A_423 = arith.constant 0 : i32
      %dma_wait3A_424 = tpu.memref_slice %arg4[%add3A_327, %dma_wait3A_423] : memref<106496x128xf32, #tpu.memory_space<hbm>> -> memref<128x128xf32, #tpu.memory_space<hbm>>
      tpu.wait_dma2 semaphore(%run_scoped3A : memref<!tpu.dma_semaphore, #tpu.memory_space<semaphore_mem>>) src(%arg7 : memref<128x128xf32, #tpu.memory_space<vmem>>) dst(%dma_wait3A_424 : memref<128x128xf32, #tpu.memory_space<hbm>>)
      tpu.yield
    }) : () -> ()
    %dma_start3A_328 = arith.constant 21 : i32
    %dma_start3A_329 = arith.constant 0 : i32
    %dma_start3A_330 = tpu.memref_slice %arg5[%dma_start3A_328, %dma_start3A_329] : memref<26x128xi32, #tpu.memory_space<vmem>> -> memref<1x128xi32, #tpu.memory_space<vmem>>
    %dma_start3A_331 = tpu.memref_squeeze %dma_start3A_330 : memref<1x128xi32, #tpu.memory_space<vmem>> -> memref<128xi32, #tpu.memory_space<vmem>>
    %dma_start3A_332 = arith.constant 0 : i32
    %dma_start3A_333 = arith.constant 0 : i32
    %dma_start3A_334 = tpu.memref_slice %arg2[%dma_start3A_332, %dma_start3A_333] : memref<1300000x128xf32, #tpu.memory_space<hbm>> -> memref<1300000x128xf32, #tpu.memory_space<hbm>>
    tpu.enqueue_indirect_dma source(%dma_start3A_334 : memref<1300000x128xf32, #tpu.memory_space<hbm>>) target(%arg7 : memref<128x128xf32, #tpu.memory_space<vmem>>) offsets(%dma_start3A_331 : memref<128xi32, #tpu.memory_space<vmem>>) semaphore(%arg9 : memref<!tpu.dma_semaphore, #tpu.memory_space<semaphore_mem>>)
    %dma_wait3A_335 = arith.constant 20 : i32
    %dma_wait3A_336 = arith.constant 0 : i32
    %dma_wait3A_337 = tpu.memref_slice %arg5[%dma_wait3A_335, %dma_wait3A_336] : memref<26x128xi32, #tpu.memory_space<vmem>> -> memref<1x128xi32, #tpu.memory_space<vmem>>
    %dma_wait3A_338 = tpu.memref_squeeze %dma_wait3A_337 : memref<1x128xi32, #tpu.memory_space<vmem>> -> memref<128xi32, #tpu.memory_space<vmem>>
    %dma_wait3A_339 = arith.constant 0 : i32
    %dma_wait3A_340 = arith.constant 0 : i32
    %dma_wait3A_341 = tpu.memref_slice %arg2[%dma_wait3A_339, %dma_wait3A_340] : memref<1300000x128xf32, #tpu.memory_space<hbm>> -> memref<1300000x128xf32, #tpu.memory_space<hbm>>
    tpu.wait_indirect_dma semaphore(%arg8 : memref<!tpu.dma_semaphore, #tpu.memory_space<semaphore_mem>>) src(%dma_wait3A_341 : memref<1300000x128xf32, #tpu.memory_space<hbm>>) dst(%arg6 : memref<128x128xf32, #tpu.memory_space<vmem>>)
    %add3A_342 = arith.constant 2560 : i32
    %add3A_343 = arith.addi %mul3A_2, %add3A_342 : i32
    "tpu.region"() ({
      %run_scoped3A = tpu.sem_alloc : memref<!tpu.dma_semaphore, #tpu.memory_space<semaphore_mem>>
      %dma_start3A_417 = arith.constant 0 : i32
      %dma_start3A_418 = tpu.memref_slice %arg4[%add3A_343, %dma_start3A_417] : memref<106496x128xf32, #tpu.memory_space<hbm>> -> memref<128x128xf32, #tpu.memory_space<hbm>>
      %dma_start3A_419 = arith.constant 0 : i32
      %dma_start3A_420 = tpu.memref_slice %arg4[%add3A_343, %dma_start3A_419] : memref<106496x128xf32, #tpu.memory_space<hbm>> -> memref<128x128xf32, #tpu.memory_space<hbm>>
      tpu.enqueue_dma source(%arg6 : memref<128x128xf32, #tpu.memory_space<vmem>>) target(%dma_start3A_420 : memref<128x128xf32, #tpu.memory_space<hbm>>) target_semaphore(%run_scoped3A : memref<!tpu.dma_semaphore, #tpu.memory_space<semaphore_mem>>)
      %dma_wait3A_421 = arith.constant 0 : i32
      %dma_wait3A_422 = tpu.memref_slice %arg4[%add3A_343, %dma_wait3A_421] : memref<106496x128xf32, #tpu.memory_space<hbm>> -> memref<128x128xf32, #tpu.memory_space<hbm>>
      %dma_wait3A_423 = arith.constant 0 : i32
      %dma_wait3A_424 = tpu.memref_slice %arg4[%add3A_343, %dma_wait3A_423] : memref<106496x128xf32, #tpu.memory_space<hbm>> -> memref<128x128xf32, #tpu.memory_space<hbm>>
      tpu.wait_dma2 semaphore(%run_scoped3A : memref<!tpu.dma_semaphore, #tpu.memory_space<semaphore_mem>>) src(%arg6 : memref<128x128xf32, #tpu.memory_space<vmem>>) dst(%dma_wait3A_424 : memref<128x128xf32, #tpu.memory_space<hbm>>)
      tpu.yield
    }) : () -> ()
    %dma_start3A_344 = arith.constant 22 : i32
    %dma_start3A_345 = arith.constant 0 : i32
    %dma_start3A_346 = tpu.memref_slice %arg5[%dma_start3A_344, %dma_start3A_345] : memref<26x128xi32, #tpu.memory_space<vmem>> -> memref<1x128xi32, #tpu.memory_space<vmem>>
    %dma_start3A_347 = tpu.memref_squeeze %dma_start3A_346 : memref<1x128xi32, #tpu.memory_space<vmem>> -> memref<128xi32, #tpu.memory_space<vmem>>
    %dma_start3A_348 = arith.constant 0 : i32
    %dma_start3A_349 = arith.constant 0 : i32
    %dma_start3A_350 = tpu.memref_slice %arg2[%dma_start3A_348, %dma_start3A_349] : memref<1300000x128xf32, #tpu.memory_space<hbm>> -> memref<1300000x128xf32, #tpu.memory_space<hbm>>
    tpu.enqueue_indirect_dma source(%dma_start3A_350 : memref<1300000x128xf32, #tpu.memory_space<hbm>>) target(%arg6 : memref<128x128xf32, #tpu.memory_space<vmem>>) offsets(%dma_start3A_347 : memref<128xi32, #tpu.memory_space<vmem>>) semaphore(%arg8 : memref<!tpu.dma_semaphore, #tpu.memory_space<semaphore_mem>>)
    %dma_wait3A_351 = arith.constant 21 : i32
    %dma_wait3A_352 = arith.constant 0 : i32
    %dma_wait3A_353 = tpu.memref_slice %arg5[%dma_wait3A_351, %dma_wait3A_352] : memref<26x128xi32, #tpu.memory_space<vmem>> -> memref<1x128xi32, #tpu.memory_space<vmem>>
    %dma_wait3A_354 = tpu.memref_squeeze %dma_wait3A_353 : memref<1x128xi32, #tpu.memory_space<vmem>> -> memref<128xi32, #tpu.memory_space<vmem>>
    %dma_wait3A_355 = arith.constant 0 : i32
    %dma_wait3A_356 = arith.constant 0 : i32
    %dma_wait3A_357 = tpu.memref_slice %arg2[%dma_wait3A_355, %dma_wait3A_356] : memref<1300000x128xf32, #tpu.memory_space<hbm>> -> memref<1300000x128xf32, #tpu.memory_space<hbm>>
    tpu.wait_indirect_dma semaphore(%arg9 : memref<!tpu.dma_semaphore, #tpu.memory_space<semaphore_mem>>) src(%dma_wait3A_357 : memref<1300000x128xf32, #tpu.memory_space<hbm>>) dst(%arg7 : memref<128x128xf32, #tpu.memory_space<vmem>>)
    %add3A_358 = arith.constant 2688 : i32
    %add3A_359 = arith.addi %mul3A_2, %add3A_358 : i32
    "tpu.region"() ({
      %run_scoped3A = tpu.sem_alloc : memref<!tpu.dma_semaphore, #tpu.memory_space<semaphore_mem>>
      %dma_start3A_417 = arith.constant 0 : i32
      %dma_start3A_418 = tpu.memref_slice %arg4[%add3A_359, %dma_start3A_417] : memref<106496x128xf32, #tpu.memory_space<hbm>> -> memref<128x128xf32, #tpu.memory_space<hbm>>
      %dma_start3A_419 = arith.constant 0 : i32
      %dma_start3A_420 = tpu.memref_slice %arg4[%add3A_359, %dma_start3A_419] : memref<106496x128xf32, #tpu.memory_space<hbm>> -> memref<128x128xf32, #tpu.memory_space<hbm>>
      tpu.enqueue_dma source(%arg7 : memref<128x128xf32, #tpu.memory_space<vmem>>) target(%dma_start3A_420 : memref<128x128xf32, #tpu.memory_space<hbm>>) target_semaphore(%run_scoped3A : memref<!tpu.dma_semaphore, #tpu.memory_space<semaphore_mem>>)
      %dma_wait3A_421 = arith.constant 0 : i32
      %dma_wait3A_422 = tpu.memref_slice %arg4[%add3A_359, %dma_wait3A_421] : memref<106496x128xf32, #tpu.memory_space<hbm>> -> memref<128x128xf32, #tpu.memory_space<hbm>>
      %dma_wait3A_423 = arith.constant 0 : i32
      %dma_wait3A_424 = tpu.memref_slice %arg4[%add3A_359, %dma_wait3A_423] : memref<106496x128xf32, #tpu.memory_space<hbm>> -> memref<128x128xf32, #tpu.memory_space<hbm>>
      tpu.wait_dma2 semaphore(%run_scoped3A : memref<!tpu.dma_semaphore, #tpu.memory_space<semaphore_mem>>) src(%arg7 : memref<128x128xf32, #tpu.memory_space<vmem>>) dst(%dma_wait3A_424 : memref<128x128xf32, #tpu.memory_space<hbm>>)
      tpu.yield
    }) : () -> ()
    %dma_start3A_360 = arith.constant 23 : i32
    %dma_start3A_361 = arith.constant 0 : i32
    %dma_start3A_362 = tpu.memref_slice %arg5[%dma_start3A_360, %dma_start3A_361] : memref<26x128xi32, #tpu.memory_space<vmem>> -> memref<1x128xi32, #tpu.memory_space<vmem>>
    %dma_start3A_363 = tpu.memref_squeeze %dma_start3A_362 : memref<1x128xi32, #tpu.memory_space<vmem>> -> memref<128xi32, #tpu.memory_space<vmem>>
    %dma_start3A_364 = arith.constant 0 : i32
    %dma_start3A_365 = arith.constant 0 : i32
    %dma_start3A_366 = tpu.memref_slice %arg2[%dma_start3A_364, %dma_start3A_365] : memref<1300000x128xf32, #tpu.memory_space<hbm>> -> memref<1300000x128xf32, #tpu.memory_space<hbm>>
    tpu.enqueue_indirect_dma source(%dma_start3A_366 : memref<1300000x128xf32, #tpu.memory_space<hbm>>) target(%arg7 : memref<128x128xf32, #tpu.memory_space<vmem>>) offsets(%dma_start3A_363 : memref<128xi32, #tpu.memory_space<vmem>>) semaphore(%arg9 : memref<!tpu.dma_semaphore, #tpu.memory_space<semaphore_mem>>)
    %dma_wait3A_367 = arith.constant 22 : i32
    %dma_wait3A_368 = arith.constant 0 : i32
    %dma_wait3A_369 = tpu.memref_slice %arg5[%dma_wait3A_367, %dma_wait3A_368] : memref<26x128xi32, #tpu.memory_space<vmem>> -> memref<1x128xi32, #tpu.memory_space<vmem>>
    %dma_wait3A_370 = tpu.memref_squeeze %dma_wait3A_369 : memref<1x128xi32, #tpu.memory_space<vmem>> -> memref<128xi32, #tpu.memory_space<vmem>>
    %dma_wait3A_371 = arith.constant 0 : i32
    %dma_wait3A_372 = arith.constant 0 : i32
    %dma_wait3A_373 = tpu.memref_slice %arg2[%dma_wait3A_371, %dma_wait3A_372] : memref<1300000x128xf32, #tpu.memory_space<hbm>> -> memref<1300000x128xf32, #tpu.memory_space<hbm>>
    tpu.wait_indirect_dma semaphore(%arg8 : memref<!tpu.dma_semaphore, #tpu.memory_space<semaphore_mem>>) src(%dma_wait3A_373 : memref<1300000x128xf32, #tpu.memory_space<hbm>>) dst(%arg6 : memref<128x128xf32, #tpu.memory_space<vmem>>)
    %add3A_374 = arith.constant 2816 : i32
    %add3A_375 = arith.addi %mul3A_2, %add3A_374 : i32
    "tpu.region"() ({
      %run_scoped3A = tpu.sem_alloc : memref<!tpu.dma_semaphore, #tpu.memory_space<semaphore_mem>>
      %dma_start3A_417 = arith.constant 0 : i32
      %dma_start3A_418 = tpu.memref_slice %arg4[%add3A_375, %dma_start3A_417] : memref<106496x128xf32, #tpu.memory_space<hbm>> -> memref<128x128xf32, #tpu.memory_space<hbm>>
      %dma_start3A_419 = arith.constant 0 : i32
      %dma_start3A_420 = tpu.memref_slice %arg4[%add3A_375, %dma_start3A_419] : memref<106496x128xf32, #tpu.memory_space<hbm>> -> memref<128x128xf32, #tpu.memory_space<hbm>>
      tpu.enqueue_dma source(%arg6 : memref<128x128xf32, #tpu.memory_space<vmem>>) target(%dma_start3A_420 : memref<128x128xf32, #tpu.memory_space<hbm>>) target_semaphore(%run_scoped3A : memref<!tpu.dma_semaphore, #tpu.memory_space<semaphore_mem>>)
      %dma_wait3A_421 = arith.constant 0 : i32
      %dma_wait3A_422 = tpu.memref_slice %arg4[%add3A_375, %dma_wait3A_421] : memref<106496x128xf32, #tpu.memory_space<hbm>> -> memref<128x128xf32, #tpu.memory_space<hbm>>
      %dma_wait3A_423 = arith.constant 0 : i32
      %dma_wait3A_424 = tpu.memref_slice %arg4[%add3A_375, %dma_wait3A_423] : memref<106496x128xf32, #tpu.memory_space<hbm>> -> memref<128x128xf32, #tpu.memory_space<hbm>>
      tpu.wait_dma2 semaphore(%run_scoped3A : memref<!tpu.dma_semaphore, #tpu.memory_space<semaphore_mem>>) src(%arg6 : memref<128x128xf32, #tpu.memory_space<vmem>>) dst(%dma_wait3A_424 : memref<128x128xf32, #tpu.memory_space<hbm>>)
      tpu.yield
    }) : () -> ()
    %dma_start3A_376 = arith.constant 24 : i32
    %dma_start3A_377 = arith.constant 0 : i32
    %dma_start3A_378 = tpu.memref_slice %arg5[%dma_start3A_376, %dma_start3A_377] : memref<26x128xi32, #tpu.memory_space<vmem>> -> memref<1x128xi32, #tpu.memory_space<vmem>>
    %dma_start3A_379 = tpu.memref_squeeze %dma_start3A_378 : memref<1x128xi32, #tpu.memory_space<vmem>> -> memref<128xi32, #tpu.memory_space<vmem>>
    %dma_start3A_380 = arith.constant 0 : i32
    %dma_start3A_381 = arith.constant 0 : i32
    %dma_start3A_382 = tpu.memref_slice %arg2[%dma_start3A_380, %dma_start3A_381] : memref<1300000x128xf32, #tpu.memory_space<hbm>> -> memref<1300000x128xf32, #tpu.memory_space<hbm>>
    tpu.enqueue_indirect_dma source(%dma_start3A_382 : memref<1300000x128xf32, #tpu.memory_space<hbm>>) target(%arg6 : memref<128x128xf32, #tpu.memory_space<vmem>>) offsets(%dma_start3A_379 : memref<128xi32, #tpu.memory_space<vmem>>) semaphore(%arg8 : memref<!tpu.dma_semaphore, #tpu.memory_space<semaphore_mem>>)
    %dma_wait3A_383 = arith.constant 23 : i32
    %dma_wait3A_384 = arith.constant 0 : i32
    %dma_wait3A_385 = tpu.memref_slice %arg5[%dma_wait3A_383, %dma_wait3A_384] : memref<26x128xi32, #tpu.memory_space<vmem>> -> memref<1x128xi32, #tpu.memory_space<vmem>>
    %dma_wait3A_386 = tpu.memref_squeeze %dma_wait3A_385 : memref<1x128xi32, #tpu.memory_space<vmem>> -> memref<128xi32, #tpu.memory_space<vmem>>
    %dma_wait3A_387 = arith.constant 0 : i32
    %dma_wait3A_388 = arith.constant 0 : i32
    %dma_wait3A_389 = tpu.memref_slice %arg2[%dma_wait3A_387, %dma_wait3A_388] : memref<1300000x128xf32, #tpu.memory_space<hbm>> -> memref<1300000x128xf32, #tpu.memory_space<hbm>>
    tpu.wait_indirect_dma semaphore(%arg9 : memref<!tpu.dma_semaphore, #tpu.memory_space<semaphore_mem>>) src(%dma_wait3A_389 : memref<1300000x128xf32, #tpu.memory_space<hbm>>) dst(%arg7 : memref<128x128xf32, #tpu.memory_space<vmem>>)
    %add3A_390 = arith.constant 2944 : i32
    %add3A_391 = arith.addi %mul3A_2, %add3A_390 : i32
    "tpu.region"() ({
      %run_scoped3A = tpu.sem_alloc : memref<!tpu.dma_semaphore, #tpu.memory_space<semaphore_mem>>
      %dma_start3A_417 = arith.constant 0 : i32
      %dma_start3A_418 = tpu.memref_slice %arg4[%add3A_391, %dma_start3A_417] : memref<106496x128xf32, #tpu.memory_space<hbm>> -> memref<128x128xf32, #tpu.memory_space<hbm>>
      %dma_start3A_419 = arith.constant 0 : i32
      %dma_start3A_420 = tpu.memref_slice %arg4[%add3A_391, %dma_start3A_419] : memref<106496x128xf32, #tpu.memory_space<hbm>> -> memref<128x128xf32, #tpu.memory_space<hbm>>
      tpu.enqueue_dma source(%arg7 : memref<128x128xf32, #tpu.memory_space<vmem>>) target(%dma_start3A_420 : memref<128x128xf32, #tpu.memory_space<hbm>>) target_semaphore(%run_scoped3A : memref<!tpu.dma_semaphore, #tpu.memory_space<semaphore_mem>>)
      %dma_wait3A_421 = arith.constant 0 : i32
      %dma_wait3A_422 = tpu.memref_slice %arg4[%add3A_391, %dma_wait3A_421] : memref<106496x128xf32, #tpu.memory_space<hbm>> -> memref<128x128xf32, #tpu.memory_space<hbm>>
      %dma_wait3A_423 = arith.constant 0 : i32
      %dma_wait3A_424 = tpu.memref_slice %arg4[%add3A_391, %dma_wait3A_423] : memref<106496x128xf32, #tpu.memory_space<hbm>> -> memref<128x128xf32, #tpu.memory_space<hbm>>
      tpu.wait_dma2 semaphore(%run_scoped3A : memref<!tpu.dma_semaphore, #tpu.memory_space<semaphore_mem>>) src(%arg7 : memref<128x128xf32, #tpu.memory_space<vmem>>) dst(%dma_wait3A_424 : memref<128x128xf32, #tpu.memory_space<hbm>>)
      tpu.yield
    }) : () -> ()
    %dma_start3A_392 = arith.constant 25 : i32
    %dma_start3A_393 = arith.constant 0 : i32
    %dma_start3A_394 = tpu.memref_slice %arg5[%dma_start3A_392, %dma_start3A_393] : memref<26x128xi32, #tpu.memory_space<vmem>> -> memref<1x128xi32, #tpu.memory_space<vmem>>
    %dma_start3A_395 = tpu.memref_squeeze %dma_start3A_394 : memref<1x128xi32, #tpu.memory_space<vmem>> -> memref<128xi32, #tpu.memory_space<vmem>>
    %dma_start3A_396 = arith.constant 0 : i32
    %dma_start3A_397 = arith.constant 0 : i32
    %dma_start3A_398 = tpu.memref_slice %arg2[%dma_start3A_396, %dma_start3A_397] : memref<1300000x128xf32, #tpu.memory_space<hbm>> -> memref<1300000x128xf32, #tpu.memory_space<hbm>>
    tpu.enqueue_indirect_dma source(%dma_start3A_398 : memref<1300000x128xf32, #tpu.memory_space<hbm>>) target(%arg7 : memref<128x128xf32, #tpu.memory_space<vmem>>) offsets(%dma_start3A_395 : memref<128xi32, #tpu.memory_space<vmem>>) semaphore(%arg9 : memref<!tpu.dma_semaphore, #tpu.memory_space<semaphore_mem>>)
    %dma_wait3A_399 = arith.constant 24 : i32
    %dma_wait3A_400 = arith.constant 0 : i32
    %dma_wait3A_401 = tpu.memref_slice %arg5[%dma_wait3A_399, %dma_wait3A_400] : memref<26x128xi32, #tpu.memory_space<vmem>> -> memref<1x128xi32, #tpu.memory_space<vmem>>
    %dma_wait3A_402 = tpu.memref_squeeze %dma_wait3A_401 : memref<1x128xi32, #tpu.memory_space<vmem>> -> memref<128xi32, #tpu.memory_space<vmem>>
    %dma_wait3A_403 = arith.constant 0 : i32
    %dma_wait3A_404 = arith.constant 0 : i32
    %dma_wait3A_405 = tpu.memref_slice %arg2[%dma_wait3A_403, %dma_wait3A_404] : memref<1300000x128xf32, #tpu.memory_space<hbm>> -> memref<1300000x128xf32, #tpu.memory_space<hbm>>
    tpu.wait_indirect_dma semaphore(%arg8 : memref<!tpu.dma_semaphore, #tpu.memory_space<semaphore_mem>>) src(%dma_wait3A_405 : memref<1300000x128xf32, #tpu.memory_space<hbm>>) dst(%arg6 : memref<128x128xf32, #tpu.memory_space<vmem>>)
    %add3A_406 = arith.constant 3072 : i32
    %add3A_407 = arith.addi %mul3A_2, %add3A_406 : i32
    "tpu.region"() ({
      %run_scoped3A = tpu.sem_alloc : memref<!tpu.dma_semaphore, #tpu.memory_space<semaphore_mem>>
      %dma_start3A_417 = arith.constant 0 : i32
      %dma_start3A_418 = tpu.memref_slice %arg4[%add3A_407, %dma_start3A_417] : memref<106496x128xf32, #tpu.memory_space<hbm>> -> memref<128x128xf32, #tpu.memory_space<hbm>>
      %dma_start3A_419 = arith.constant 0 : i32
      %dma_start3A_420 = tpu.memref_slice %arg4[%add3A_407, %dma_start3A_419] : memref<106496x128xf32, #tpu.memory_space<hbm>> -> memref<128x128xf32, #tpu.memory_space<hbm>>
      tpu.enqueue_dma source(%arg6 : memref<128x128xf32, #tpu.memory_space<vmem>>) target(%dma_start3A_420 : memref<128x128xf32, #tpu.memory_space<hbm>>) target_semaphore(%run_scoped3A : memref<!tpu.dma_semaphore, #tpu.memory_space<semaphore_mem>>)
      %dma_wait3A_421 = arith.constant 0 : i32
      %dma_wait3A_422 = tpu.memref_slice %arg4[%add3A_407, %dma_wait3A_421] : memref<106496x128xf32, #tpu.memory_space<hbm>> -> memref<128x128xf32, #tpu.memory_space<hbm>>
      %dma_wait3A_423 = arith.constant 0 : i32
      %dma_wait3A_424 = tpu.memref_slice %arg4[%add3A_407, %dma_wait3A_423] : memref<106496x128xf32, #tpu.memory_space<hbm>> -> memref<128x128xf32, #tpu.memory_space<hbm>>
      tpu.wait_dma2 semaphore(%run_scoped3A : memref<!tpu.dma_semaphore, #tpu.memory_space<semaphore_mem>>) src(%arg6 : memref<128x128xf32, #tpu.memory_space<vmem>>) dst(%dma_wait3A_424 : memref<128x128xf32, #tpu.memory_space<hbm>>)
      tpu.yield
    }) : () -> ()
    %dma_wait3A_408 = arith.constant 25 : i32
    %dma_wait3A_409 = arith.constant 0 : i32
    %dma_wait3A_410 = tpu.memref_slice %arg5[%dma_wait3A_408, %dma_wait3A_409] : memref<26x128xi32, #tpu.memory_space<vmem>> -> memref<1x128xi32, #tpu.memory_space<vmem>>
    %dma_wait3A_411 = tpu.memref_squeeze %dma_wait3A_410 : memref<1x128xi32, #tpu.memory_space<vmem>> -> memref<128xi32, #tpu.memory_space<vmem>>
    %dma_wait3A_412 = arith.constant 0 : i32
    %dma_wait3A_413 = arith.constant 0 : i32
    %dma_wait3A_414 = tpu.memref_slice %arg2[%dma_wait3A_412, %dma_wait3A_413] : memref<1300000x128xf32, #tpu.memory_space<hbm>> -> memref<1300000x128xf32, #tpu.memory_space<hbm>>
    tpu.wait_indirect_dma semaphore(%arg9 : memref<!tpu.dma_semaphore, #tpu.memory_space<semaphore_mem>>) src(%dma_wait3A_414 : memref<1300000x128xf32, #tpu.memory_space<hbm>>) dst(%arg7 : memref<128x128xf32, #tpu.memory_space<vmem>>)
    %add3A_415 = arith.constant 3200 : i32
    %add3A_416 = arith.addi %mul3A_2, %add3A_415 : i32
    "tpu.region"() ({
      %run_scoped3A = tpu.sem_alloc : memref<!tpu.dma_semaphore, #tpu.memory_space<semaphore_mem>>
      %dma_start3A_417 = arith.constant 0 : i32
      %dma_start3A_418 = tpu.memref_slice %arg4[%add3A_416, %dma_start3A_417] : memref<106496x128xf32, #tpu.memory_space<hbm>> -> memref<128x128xf32, #tpu.memory_space<hbm>>
      %dma_start3A_419 = arith.constant 0 : i32
      %dma_start3A_420 = tpu.memref_slice %arg4[%add3A_416, %dma_start3A_419] : memref<106496x128xf32, #tpu.memory_space<hbm>> -> memref<128x128xf32, #tpu.memory_space<hbm>>
      tpu.enqueue_dma source(%arg7 : memref<128x128xf32, #tpu.memory_space<vmem>>) target(%dma_start3A_420 : memref<128x128xf32, #tpu.memory_space<hbm>>) target_semaphore(%run_scoped3A : memref<!tpu.dma_semaphore, #tpu.memory_space<semaphore_mem>>)
      %dma_wait3A_421 = arith.constant 0 : i32
      %dma_wait3A_422 = tpu.memref_slice %arg4[%add3A_416, %dma_wait3A_421] : memref<106496x128xf32, #tpu.memory_space<hbm>> -> memref<128x128xf32, #tpu.memory_space<hbm>>
      %dma_wait3A_423 = arith.constant 0 : i32
      %dma_wait3A_424 = tpu.memref_slice %arg4[%add3A_416, %dma_wait3A_423] : memref<106496x128xf32, #tpu.memory_space<hbm>> -> memref<128x128xf32, #tpu.memory_space<hbm>>
      tpu.wait_dma2 semaphore(%run_scoped3A : memref<!tpu.dma_semaphore, #tpu.memory_space<semaphore_mem>>) src(%arg7 : memref<128x128xf32, #tpu.memory_space<vmem>>) dst(%dma_wait3A_424 : memref<128x128xf32, #tpu.memory_space<hbm>>)
      tpu.yield
    }) : () -> ()
    return
  }
}

</mosaic_0001>

<sc_bundles>
// kernel: _gather.3.cloned.1.call-start
scs
__scs_entry_jumppad:
0x0: {  	(pc) =	sbr.rel $0x88, $3  }
0x1: {  	(tag) =	ssettag $0x0;
	lr =	simm.s32 $0x1  }
0x2: {  	[smem:$0x3F9F] =	sst lr;
	_ =	strace $0xD0000000  }
0x3: {  	_ = 	snop  }
0x4: {  	_ = 	snop  }
0x5: {  	_ = 	snop  }
0x6: {  	_ = 	snop  }
0x7: {  	_ = 	snop  }
__scs_overlays_trampoline_lowered:
0x8: {  	[smem:$0x3FAE] =	sst s0  }
0x9: {  	[smem:$0x3FAF] =	sst s1  }
0xa: {  	[smem:$0x3FB0] =	sst s2  }
0xb: {  	[smem:$0x3FB1] =	sst s3  }
0xc: {  	[smem:$0x3FB2] =	sst s4  }
0xd: {  	[smem:$0x3FB3] =	sst s5  }
0xe: {  	[smem:$0x3FB4] =	sst s6  }
0xf: {  	[smem:$0x3FB5] =	sst s7  }
0x10: {  	[smem:$0x3FB6] =	sst s8  }
0x11: {  	[smem:$0x3FB7] =	sst s9;
	s0 =	simm.s32 @!p0 $0x0  }
0x12: {  	s1 =	sld [smem:$0x3F9D];
	s0 =	simm.s32 @p0 $0x1  }
0x13: {  	[smem:$0x3FB8] =	sst s0;
	s0 =	simm.s32 @!p1 $0x0  }
0x14: {  	s2 =	sld [smem:$0x3F9C];
	s0 =	simm.s32 @p1 $0x1  }
0x15: {  	[smem:$0x3FB9] =	sst s0;
	s0 =	simm.s32 @!p2 $0x0  }
0x16: {  	s3 =	sld [smem:$0x3FDB];
	s0 =	simm.s32 @p2 $0x1  }
0x17: {  	s4 =	simm.s32 $0x1BF5;
	[smem:$0x3FBB] =	sst s0  }
0x18: {  	s0 =	sld [smem:$0x3F9E];
	_ =	swait.ge [sflag:s4], $0x0  }
0x19: {  	s7 =	sld [smem:$0x3F9F]  }
0x1a: {  	s8 =	sadd.s32 $0xFFFFE003, lr  }
0x1b: {  	s9 =	sadd.s32 $0xFFFFFEF7, lr;
	s5 =	simm.s32 $0xFFFFFFFF;
	p2 =	slt.u32 s8, $0xFFFFF086  }
0x1c: {  	p1 =	slt.u32 s9, $0xF7A;
	s5 =	simm.s32 @!p2 $0x0  }
0x1d: {  	s5 =	simm.s32 @p1 $0x1;
	p0 =	seq.s32 s7, s2  }
0x1e: {  	s7 =	smul.u32 @!p0 $0xF7A, s2;
	p2 =	seq.s32 @!p0 s5, $0x0  }
0x1f: {  	s9 =	smul.u32 $0xF7A, s1;
	s8 =	simm.s32 @!p0 $0x1BF5;
	p2 =	por !p2, p0  }
0x20: {  	[sflag:s8] =	ssyncset.s32 @!p0 $0xFFFFF086;
	s6 =	sadd.s32 @!p0 s3, s7;
	s7 =	simm.s32 @!p0 $0x108  }
0x21: {  	s3 =	sadd.s32 s3, s9;
	s6 =	sadd.s32 @!p0 $0x88, s6;
	s7 =	simm.s32 @p2 $0x1082  }
0x22: {  	[simem:s7], [sflag:s8] =	dma.local @!p0 [hbm:s6], $0xF7A  }
0x23: {  	s9 =	sor.u32 $0xD0000000, s2;
	s6 =	simm.s32 $0x108;
	_ =	swait.ge @!p0 [sflag:s8], $0x0  }
0x24: {  	s3 =	sadd.s32 $0x88, s3;
	s6 =	simm.s32 @!p1 $0x1082;
	[sflag:s4] =	ssyncset.s32 $0xFFFFF086  }
0x25: {  	[simem:s6], [sflag:s4] =	dma.local [hbm:s3], $0xF7A  }
0x26: {  	[smem:$0x3F9F] =	sst s1;
	(tag) =	ssettag s2;
	_ =	strace s9  }
0x27: {  	s1 =	sld [smem:$0x3FAF]  }
0x28: {  	s2 =	sld [smem:$0x3FB0]  }
0x29: {  	s4 =	sld [smem:$0x3FB2]  }
0x2a: {  	p0 =	seq.s32 s5, $0x0;
	s5 =	sld [smem:$0x3FB3]  }
0x2b: {  	s6 =	sld [smem:$0x3FB4]  }
0x2c: {  	s7 =	sld [smem:$0x3FB5]  }
0x2d: {  	s3 =	simm.s32 $0x108;
	s8 =	sld [smem:$0x3FB6]  }
0x2e: {  	s3 =	simm.s32 @!p0 $0x1082;
	s9 =	sld [smem:$0x3FB7]  }
0x2f: {  	lr =	sadd.s32 s0, s3;
	s0 =	sld [smem:$0x3FAE]  }
0x30: {  	s3 =	sld [smem:$0x3FB1]  }
0x31: {  	[smem:$0x3FBA] =	sst s10  }
0x32: {  	s10 =	sld [smem:$0x3FB8];
	_ =	sdelay $0x3  }
0x33: {  	p0 =	seq.s32 s10, $0x1;
	s10 =	sld [smem:$0x3FBA];
	_ =	sdelay $0x3  }
0x34: {  	[smem:$0x3FBA] =	sst s10  }
0x35: {  	s10 =	sld [smem:$0x3FB9];
	_ =	sdelay $0x3  }
0x36: {  	p1 =	seq.s32 s10, $0x1;
	s10 =	sld [smem:$0x3FBA];
	_ =	sdelay $0x3  }
0x37: {  	[smem:$0x3FBA] =	sst s10  }
0x38: {  	s10 =	sld [smem:$0x3FBB]  }
0x39: {  	_ = 	snop;
	(pc) =	sbr.ind lr, $3  }
0x3a: {  	_ = 	snop  }
0x3b: {  	_ = 	snop  }
0x3c: {  	p2 =	seq.s32 s10, $0x1;
	s10 =	sld [smem:$0x3FBA]  }
0x3d: {  	_ =	shalt  }
0x3e: {  	_ =	shalt  }
0x3f: {  	_ =	shalt  }
0x40: {  	_ =	shalt  }
0x41: {  	_ =	shalt  }
0x42: {  	_ =	shalt  }
0x43: {  	_ =	shalt  }
0x44: {  	_ =	shalt  }
0x45: {  	_ =	shalt  }
0x46: {  	_ =	shalt  }
0x47: {  	_ =	shalt  }
0x48: {  	_ =	shalt  }
0x49: {  	_ =	shalt  }
0x4a: {  	_ =	shalt  }
0x4b: {  	_ =	shalt  }
0x4c: {  	_ =	shalt  }
0x4d: {  	_ =	shalt  }
0x4e: {  	_ =	shalt  }
0x4f: {  	_ =	shalt  }
0x50: {  	_ =	shalt  }
0x51: {  	_ =	shalt  }
0x52: {  	_ =	shalt  }
0x53: {  	_ =	shalt  }
0x54: {  	_ =	shalt  }
0x55: {  	_ =	shalt  }
0x56: {  	_ =	shalt  }
0x57: {  	_ =	shalt  }
0x58: {  	_ =	shalt  }
0x59: {  	_ =	shalt  }
0x5a: {  	_ =	shalt  }
0x5b: {  	_ =	shalt  }
0x5c: {  	_ =	shalt  }
0x5d: {  	_ =	shalt  }
0x5e: {  	_ =	shalt  }
0x5f: {  	_ =	shalt  }
0x60: {  	_ =	shalt  }
0x61: {  	_ =	shalt  }
0x62: {  	_ =	shalt  }
0x63: {  	_ =	shalt  }
0x64: {  	_ =	shalt  }
0x65: {  	_ =	shalt  }
0x66: {  	_ =	shalt  }
0x67: {  	_ =	shalt  }
0x68: {  	_ =	shalt  }
0x69: {  	_ =	shalt  }
0x6a: {  	_ =	shalt  }
0x6b: {  	_ =	shalt  }
0x6c: {  	_ =	shalt  }
0x6d: {  	_ =	shalt  }
0x6e: {  	_ =	shalt  }
0x6f: {  	_ =	shalt  }
0x70: {  	_ =	shalt  }
0x71: {  	_ =	shalt  }
0x72: {  	_ =	shalt  }
0x73: {  	_ =	shalt  }
0x74: {  	_ =	shalt  }
0x75: {  	_ =	shalt  }
0x76: {  	_ =	shalt  }
0x77: {  	_ =	shalt  }
0x78: {  	_ =	shalt  }
0x79: {  	_ =	shalt  }
0x7a: {  	_ =	shalt  }
0x7b: {  	_ =	shalt  }
0x7c: {  	_ =	shalt  }
0x7d: {  	_ =	shalt  }
0x7e: {  	_ =	shalt  }
0x7f: {  	_ =	shalt  }
0x80: {  	_ =	shalt  }
0x81: {  	_ =	shalt  }
0x82: {  	_ =	shalt  }
0x83: {  	_ =	shalt  }
0x84: {  	_ =	shalt  }
0x85: {  	_ =	shalt  }
0x86: {  	_ =	shalt  }
0x87: {  	_ =	shalt  }
.Lfunc_end0:
.L_simem_size_0:
called_computation_lowered:
.L_overlay_start_0:
0x88: {  	s2 =	sld [smem:$0x3FD9]  }
0x89: {  	s3 =	sld [smem:$0x3FFE];
	_ =	sdelay $0x1  }
0x8a: {  	s1 =	srdreg.scid  }
0x8b: {  	s0 =	sand.u32 $0x1, s1  }
0x8c: {  	s17 =	sshll.u32 s0, $0xA;
	s2 =	sadd.s32 s3, s2  }
0x8d: {  	s2 =	sadd.s32 s2, s17  }
0x8e: {  	[smem:$0x3FC6] =	sst s2  }
0x8f: {  	_ = 	snop  }
0x90: {  	s2 =	sld [smem:$0x3FC9]  }
0x91: {  	s18 =	sld [smem:$0x3FD0];
	(tm) =	ssettm $0x1  }
0x92: {  	s4 =	sld [smem:$0x3FFB];
	_ =	sdelay $0x3  }
0x93: {  	_ =	strace s4  }
0x94: {  	s4 =	sld [smem:$0x3FFC];
	_ =	sdelay $0x3  }
0x95: {  	_ =	strace s4  }
0x96: {  	s4 =	sld [smem:$0x3FFD];
	_ =	sdelay $0x3  }
0x97: {  	_ =	strace s4  }
0x98: {  	_ =	strace $0x8FFFFFFF  }
0x99: {  	s19 =	sld [smem:$0x3FDB];
	_ =	sdelay $0x1  }
0x9a: {  	s5 =	simm.s32 $_scs_section_size  }
0x9b: {  	s6 =	simm.s32 $_size__tile_overlayer_lowered;
	s7 =	simm.s32 $_tile_overlayer_lowered  }
0x9c: {  	s22 =	simm.s32 $0x1BFF;
	s21 =	sshll.u32 s7, $0x1;
	s4 =	sadd.s32 s5, s19  }
0x9d: {  	s8 =	simm.s32 $0x0;
	s20 =	sshll.u32 s6, $0x1;
	s6 =	sadd.s32 s21, s4  }
0x9e: {  	[timem:s8], [sflag:s22] =	dma.local [hbm:s6], s20  }
0x9f: {  	_ =	swait.ge [sflag:s22], s20  }
0xa0: {  	s5 =	ssub.s32 $0x0, s20;
	[sflag:s22] =	ssyncset.done $0x0  }
0xa1: {  	[sflag:s22] =	ssyncadd.s32 s5;
	_ =	sdelay $0x1  }
0xa2: {  	s23 =	simm.s32 $0x1B8B  }
0xa3: {  	_ =	swait.ge [sflag:s23], $0x1  }
0xa4: {  	[sflag:s23] =	ssyncset.done $0x0  }
0xa5: {  	s25 =	simm.s32 $0x1B8E;
	s24 =	sld [smem:$0x3FFE];
	[sflag:s23] =	ssyncadd.s32 $0xFFFFFFFF  }
0xa6: {  	s26 =	simm.s32 $execute0_lowered;
	[smem:$0x3FD2] =	sst s25  }
0xa7: {  	s6 =	sshll.u32 s26, $0x1;
	_ =	strace $0x80000046;
	[dreg:$0x1] =	wrdreg $0xFFFFFFFF  }
0xa8: {  	s28 =	simm.s32 $_size_execute0_lowered;
	s4 =	sadd.s32 s4, s6;
	[dreg:$0x0] =	wrdreg $0x0  }
0xa9: {  	s6 =	sshll.u32 s28, $0x1;
	[dreg:$0x2] =	wrdreg s4  }
0xaa: {  	[dreg:$0x3] =	wrdreg s6  }
0xab: {  	[dreg:$0x4] =	wrdreg $0xC0  }
0xac: {  	_ =	task [dreg:s8], $0x5FFFF  }
0xad: {  	[dreg:$0x1] =	wrdreg $0xFFFFFFFF  }
0xae: {  	[dreg:$0x0] =	wrdreg $0x60  }
0xaf: {  	[dreg:$0x2] =	wrdreg s2  }
0xb0: {  	[dreg:$0x3] =	wrdreg s24  }
0xb1: {  	[dreg:$0x4] =	wrdreg s18  }
0xb2: {  	[dreg:$0x5] =	wrdreg $0x9  }
0xb3: {  	_ =	task.clear_ibuf [dreg:s8], $0x6FFFF;
	_ =	strace $0x90000046  }
0xb4: {  	s29 =	simm.s32 $0x9;
	_ =	strace $0x80000048  }
0xb5: {  	_ =	swait.ge [sflag:s29], $0x1  }
0xb6: {  	[sflag:s29] =	ssyncadd.s32 $0xFFFFFFFF  }
0xb7: {  	_ =	strace $0x90000048  }
0xb8: {  	_ =	sfence  }
0xb9: {  	s30 =	sld [smem:$0x0];
	_ =	sdelay $0x2  }
0xba: {  	s31 =	sshll.u32 s1, $0xD;
	s1 =	sshrl.u32 s1, $0x2  }
0xbb: {  	s3 =	sand.u32 $0x4000, s31;
	s1 =	sadd.s32 s1, s30  }
0xbc: {  	s0 =	sor.u32 s3, s0;
	s1 =	sshll.u32 s1, $0x11  }
0xbd: {  	s0 =	sor.u32 s1, s0  }
0xbe: {  	s0 =	sadd.s32 $0x8F2B, s0  }
0xbf: {  	[sflag:s0] =	ssyncadd.remote.s32 $0x1  }
0xc0: {  	_ =	sfence.sel $0xFFFF  }
0xc1: {  	[dreg:$0x0] =	wrdreg $0xFFFFFFFF;
	(pc) =	sbr.abs _section_cstart, $3  }
0xc2: {  	[dreg:$0x1] =	wrdreg $0xFFFFFFFF  }
0xc3: {  	_ =	task.clear_ibuf [dreg:s8], $0x2FFFF;
	_ =	strace $0x9FFFFFFF  }
0xc4: {  	(tm) =	ssettm $0x7FFFFFFF  }
0xc5: {  	_ =	shalt  }
tec
execute0_lowered:
.L_overlay_start_1:
0x0: {  	(tag) =	ssettag $0x1  }
0x1: {  	s0 =	srdreg.scid;
	s2 =	stileid.u32  }
0x2: {  	s0 =	sand.u32 $0x1, s0;
	s2 =	sshll.u32 s2, $0x1  }
0x3: {  	s3 =	rddreg [dreg:$0x0];
	s5 =	sor.u32 s0, s2  }
0x4: {  	s1 =	rddreg [dreg:$0x1];
	s2 =	simm.s32 $0x0;
	s6 =	smul.u32 $0xD000, s5  }
0x5: {  	[smem:$0x7FF] =	sst s2;
	s7 =	sshll.u32 s5, $0x9;
	s5 =	smul.u32 $0x68000, s5  }
0x6: {  	s4 =	rddreg [dreg:$0x2];
	_ =	strace $0x80000047;
	s1 =	sadd.s32 s7, s1  }
0x7: {  	s1 =	sadd.s32 $0x400, s1;
	s26 =	sadd.s32 s4, s6;
	s5 =	sshrl.u32 s5, $0x3  }
0x8: {  	[dreg:$0x4] =	wrdreg s1;
	s17 =	sadd.s32 $0x800, s26;
	s4 =	sadd.s32 s4, s5  }
0x9: {  	[dreg:$0x5] =	wrdreg s17;
	s18 =	sadd.s32 $0x1000, s4  }
0xa: {  	s19 =	sadd.s32 $0x1800, s4;
	[dreg:$0x6] =	wrdreg s18  }
0xb: {  	s20 =	sadd.s32 $0x2000, s4;
	[dreg:$0x7] =	wrdreg s19  }
0xc: {  	s21 =	sadd.s32 $0x2800, s4;
	[dreg:$0x8] =	wrdreg s20  }
0xd: {  	s22 =	sadd.s32 $0x3000, s4;
	[dreg:$0x9] =	wrdreg s21  }
0xe: {  	s23 =	sadd.s32 $0x3800, s4;
	[dreg:$0xa] =	wrdreg s22  }
0xf: {  	s24 =	sadd.s32 $0x4000, s4;
	[dreg:$0xb] =	wrdreg s23  }
0x10: {  	s25 =	sadd.s32 $0x4800, s4;
	[dreg:$0xc] =	wrdreg s24  }
0x11: {  	s5 =	sadd.s32 $0x5000, s4;
	[dreg:$0xd] =	wrdreg s25  }
0x12: {  	s6 =	sadd.s32 $0x5800, s4;
	[dreg:$0xe] =	wrdreg s5  }
0x13: {  	s7 =	sadd.s32 $0x6000, s4;
	[dreg:$0xf] =	wrdreg s6  }
0x14: {  	s8 =	sadd.s32 $0x6800, s4;
	[dreg:$0x10] =	wrdreg s7  }
0x15: {  	s9 =	sadd.s32 $0x7000, s4;
	[dreg:$0x11] =	wrdreg s8  }
0x16: {  	s10 =	sadd.s32 $0x7800, s4;
	[dreg:$0x12] =	wrdreg s9  }
0x17: {  	s11 =	sadd.s32 $0x8000, s4;
	[dreg:$0x13] =	wrdreg s10  }
0x18: {  	s12 =	sadd.s32 $0x8800, s4;
	[dreg:$0x14] =	wrdreg s11  }
0x19: {  	s31 =	simm.s32 $0x300;
	s13 =	sadd.s32 $0x9000, s4;
	[dreg:$0x15] =	wrdreg s12  }
0x1a: {  	s30 =	simm.s32 $0x380;
	s14 =	sadd.s32 $0x9800, s4;
	[dreg:$0x16] =	wrdreg s13  }
0x1b: {  	s29 =	simm.s32 $0x400;
	s15 =	sadd.s32 $0xA000, s4;
	[dreg:$0x17] =	wrdreg s14  }
0x1c: {  	s28 =	simm.s32 $0x480;
	s16 =	sadd.s32 $0xA800, s4;
	[dreg:$0x18] =	wrdreg s15  }
0x1d: {  	p0 =	por $0x0, $0x0;
	s17 =	sadd.s32 $0xB000, s4;
	[dreg:$0x19] =	wrdreg s16  }
0x1e: {  	s0 =	ssub.s32 $0x2, s0;
	[dreg:$0x1a] =	wrdreg s17;
	s18 =	sadd.s32 $0xB800, s4  }
0x1f: {  	s19 =	sadd.s32 $0xC000, s4;
	s20 =	sshrl.u32 s0, $0x1;
	s21 =	sadd.s32 $0xC800, s4  }
0x20: {  	s4 =	simm.s32 $0x3;
	s22 =	simm.s32 $0x100;
	s8 =	simm.s32 $0x80  }
0x21: {  	s23 =	simm.s32 $0x180;
	s6 =	simm.s32 $0x1000;
	s24 =	simm.s32 $0x200  }
0x22: {  	s5 =	simm.s32 $0x5000;
	s25 =	simm.s32 $0x280;
	s9 =	simm.s32 $0x1  }
0x23: {  	s7 =	simm.s32 $0x2;
	s17 =	simm.s32 $0x900;
	[dreg:$0x1b] =	wrdreg s18  }
0x24: {  	s16 =	simm.s32 $0x980;
	s15 =	simm.s32 $0xA00;
	[dreg:$0x1c] =	wrdreg s19  }
0x25: {  	s14 =	simm.s32 $0xA80;
	s0 =	ssub.s32 s0, s20;
	[dreg:$0x1d] =	wrdreg s21  }
0x26: {  	s13 =	simm.s32 $0xB00;
	[dreg:$0x1e] =	wrdreg s22;
	s0 =	smax.u32 s0, $0x1  }
0x27: {  	s12 =	simm.s32 $0xB80;
	[dreg:$0x1f] =	wrdreg s23;
	p1 =	sne.s32 s0, $0x1  }
.Ltmp0:
0x28: {  	s11 =	simm.s32 $0xC00;
	[smem:$0x7FC] =	sst s24;
	(pc) =	sbr.rel @!p1 .LBB2_3-.Ltmp0, $4  }
0x29: {  	s10 =	simm.s32 $0xC80;
	[smem:$0x7FD] =	sst s25;
	s25 =	simm.s32 $0x500  }
0x2a: {  	s24 =	simm.s32 $0x580;
	s23 =	simm.s32 $0x600;
	s22 =	simm.s32 $0x680  }
0x2b: {  	s21 =	simm.s32 $0x700;
	s20 =	simm.s32 $0x780;
	s19 =	simm.s32 $0x800  }
0x2c: {  	s18 =	simm.s32 $0x880;
	s1 =	sadd.s32 $0xFFFFFFFF, s0;
	s0 =	rddreg [dreg:$0x4]  }
0x2d: {  	[tilespmem:s2], [sflag:$0x3] =	stream.linear.gather [hbm4b:s0+s2], $0xD00, $0x38;
	[tilespmem:$0x9000] =	vst v63  }
0x2e: {  	_ =	swait.ge [sflag:s4], $0xD00  }
0x2f: {  	[sflag:s4] =	ssyncset.done $0x0  }
0x30: {  	[sflag:s4] =	ssyncadd.s32 $0xFFFFF300  }
0x31: {  	[tilespmem:s6], [sflag:$0x1] =	stream.indirect.gather [hbm4b:s3+s8], $0x80, s2, s8, $0xb8;
	[tilespmem:$0x9000] =	vst v63  }
0x32: {  	_ = 	snop  }
0x33: {  	[tilespmem:s5], [sflag:$0x2] =	stream.indirect.gather [hbm4b:s3+s8], $0x80, s8, s8, $0xb8;
	[tilespmem:$0x9000] =	vst v63  }
0x34: {  	_ =	swait.ge [sflag:s9], $0x4000  }
0x35: {  	[sflag:s9] =	ssyncset.done $0x0  }
0x36: {  	[sflag:s9] =	ssyncadd.s32 $0xFFFFC000  }
0x37: {  	[hbm4b:s26+s2] =	stream.linear.scatter [tilespmem:s6], [sflag:$0x3], $0x4000, $0x38;
	[tilespmem:$0x9000] =	vst v63  }
0x38: {  	_ =	swait.ge [sflag:s4], $0x4000  }
0x39: {  	[sflag:s4] =	ssyncset.done $0x0  }
0x3a: {  	s0 =	rddreg [dreg:$0x1e];
	[sflag:s4] =	ssyncadd.s32 $0xFFFFC000  }
0x3b: {  	[tilespmem:s6], [sflag:$0x1] =	stream.indirect.gather [hbm4b:s3+s8], $0x80, s0, s8, $0xb8;
	[tilespmem:$0x9000] =	vst v63  }
0x3c: {  	_ =	swait.ge [sflag:s7], $0x4000  }
0x3d: {  	[sflag:s7] =	ssyncset.done $0x0  }
0x3e: {  	s0 =	rddreg [dreg:$0x5];
	[sflag:s7] =	ssyncadd.s32 $0xFFFFC000  }
0x3f: {  	[hbm4b:s0+s2] =	stream.linear.scatter [tilespmem:s5], [sflag:$0x3], $0x4000, $0x38;
	[tilespmem:$0x9000] =	vst v63  }
0x40: {  	_ =	swait.ge [sflag:s4], $0x4000  }
0x41: {  	[sflag:s4] =	ssyncset.done $0x0  }
0x42: {  	s0 =	rddreg [dreg:$0x1f];
	[sflag:s4] =	ssyncadd.s32 $0xFFFFC000  }
0x43: {  	[tilespmem:s5], [sflag:$0x2] =	stream.indirect.gather [hbm4b:s3+s8], $0x80, s0, s8, $0xb8;
	[tilespmem:$0x9000] =	vst v63  }
0x44: {  	_ =	swait.ge [sflag:s9], $0x4000  }
0x45: {  	[sflag:s9] =	ssyncset.done $0x0  }
0x46: {  	s0 =	rddreg [dreg:$0x6];
	[sflag:s9] =	ssyncadd.s32 $0xFFFFC000  }
0x47: {  	[hbm4b:s0+s2] =	stream.linear.scatter [tilespmem:s6], [sflag:$0x3], $0x4000, $0x38;
	[tilespmem:$0x9000] =	vst v63  }
0x48: {  	_ =	swait.ge [sflag:s4], $0x4000  }
0x49: {  	s0 =	sld [smem:$0x7FC]  }
0x4a: {  	[sflag:s4] =	ssyncset.done $0x0  }
0x4b: {  	[sflag:s4] =	ssyncadd.s32 $0xFFFFC000  }
0x4c: {  	[tilespmem:s6], [sflag:$0x1] =	stream.indirect.gather [hbm4b:s3+s8], $0x80, s0, s8, $0xb8;
	[tilespmem:$0x9000] =	vst v63  }
0x4d: {  	_ =	swait.ge [sflag:s7], $0x4000  }
0x4e: {  	[sflag:s7] =	ssyncset.done $0x0  }
0x4f: {  	s0 =	rddreg [dreg:$0x7];
	[sflag:s7] =	ssyncadd.s32 $0xFFFFC000  }
0x50: {  	[hbm4b:s0+s2] =	stream.linear.scatter [tilespmem:s5], [sflag:$0x3], $0x4000, $0x38;
	[tilespmem:$0x9000] =	vst v63  }
0x51: {  	_ =	swait.ge [sflag:s4], $0x4000  }
0x52: {  	s0 =	sld [smem:$0x7FD]  }
0x53: {  	[sflag:s4] =	ssyncset.done $0x0  }
0x54: {  	[sflag:s4] =	ssyncadd.s32 $0xFFFFC000  }
0x55: {  	[tilespmem:s5], [sflag:$0x2] =	stream.indirect.gather [hbm4b:s3+s8], $0x80, s0, s8, $0xb8;
	[tilespmem:$0x9000] =	vst v63  }
0x56: {  	_ =	swait.ge [sflag:s9], $0x4000  }
0x57: {  	[sflag:s9] =	ssyncset.done $0x0  }
0x58: {  	s0 =	rddreg [dreg:$0x8];
	[sflag:s9] =	ssyncadd.s32 $0xFFFFC000  }
0x59: {  	[hbm4b:s0+s2] =	stream.linear.scatter [tilespmem:s6], [sflag:$0x3], $0x4000, $0x38;
	[tilespmem:$0x9000] =	vst v63  }
0x5a: {  	_ =	swait.ge [sflag:s4], $0x4000  }
0x5b: {  	[sflag:s4] =	ssyncset.done $0x0  }
0x5c: {  	[sflag:s4] =	ssyncadd.s32 $0xFFFFC000  }
0x5d: {  	[tilespmem:s6], [sflag:$0x1] =	stream.indirect.gather [hbm4b:s3+s8], $0x80, s31, s8, $0xb8;
	[tilespmem:$0x9000] =	vst v63  }
0x5e: {  	_ =	swait.ge [sflag:s7], $0x4000  }
0x5f: {  	[sflag:s7] =	ssyncset.done $0x0  }
0x60: {  	s0 =	rddreg [dreg:$0x9];
	[sflag:s7] =	ssyncadd.s32 $0xFFFFC000  }
0x61: {  	[hbm4b:s0+s2] =	stream.linear.scatter [tilespmem:s5], [sflag:$0x3], $0x4000, $0x38;
	[tilespmem:$0x9000] =	vst v63  }
0x62: {  	_ =	swait.ge [sflag:s4], $0x4000  }
0x63: {  	[sflag:s4] =	ssyncset.done $0x0  }
0x64: {  	[sflag:s4] =	ssyncadd.s32 $0xFFFFC000  }
0x65: {  	[tilespmem:s5], [sflag:$0x2] =	stream.indirect.gather [hbm4b:s3+s8], $0x80, s30, s8, $0xb8;
	[tilespmem:$0x9000] =	vst v63  }
0x66: {  	_ =	swait.ge [sflag:s9], $0x4000  }
0x67: {  	[sflag:s9] =	ssyncset.done $0x0  }
0x68: {  	s0 =	rddreg [dreg:$0xa];
	[sflag:s9] =	ssyncadd.s32 $0xFFFFC000  }
0x69: {  	[hbm4b:s0+s2] =	stream.linear.scatter [tilespmem:s6], [sflag:$0x3], $0x4000, $0x38;
	[tilespmem:$0x9000] =	vst v63  }
0x6a: {  	_ =	swait.ge [sflag:s4], $0x4000  }
0x6b: {  	[sflag:s4] =	ssyncset.done $0x0  }
0x6c: {  	[sflag:s4] =	ssyncadd.s32 $0xFFFFC000  }
0x6d: {  	[tilespmem:s6], [sflag:$0x1] =	stream.indirect.gather [hbm4b:s3+s8], $0x80, s29, s8, $0xb8;
	[tilespmem:$0x9000] =	vst v63  }
0x6e: {  	_ =	swait.ge [sflag:s7], $0x4000  }
0x6f: {  	[sflag:s7] =	ssyncset.done $0x0  }
0x70: {  	s0 =	rddreg [dreg:$0xb];
	[sflag:s7] =	ssyncadd.s32 $0xFFFFC000  }
0x71: {  	[hbm4b:s0+s2] =	stream.linear.scatter [tilespmem:s5], [sflag:$0x3], $0x4000, $0x38;
	[tilespmem:$0x9000] =	vst v63  }
0x72: {  	_ =	swait.ge [sflag:s4], $0x4000  }
0x73: {  	[sflag:s4] =	ssyncset.done $0x0  }
0x74: {  	[sflag:s4] =	ssyncadd.s32 $0xFFFFC000  }
0x75: {  	[tilespmem:s5], [sflag:$0x2] =	stream.indirect.gather [hbm4b:s3+s8], $0x80, s28, s8, $0xb8;
	[tilespmem:$0x9000] =	vst v63  }
0x76: {  	_ =	swait.ge [sflag:s9], $0x4000  }
0x77: {  	[sflag:s9] =	ssyncset.done $0x0  }
0x78: {  	s0 =	rddreg [dreg:$0xc];
	[sflag:s9] =	ssyncadd.s32 $0xFFFFC000  }
0x79: {  	[hbm4b:s0+s2] =	stream.linear.scatter [tilespmem:s6], [sflag:$0x3], $0x4000, $0x38;
	[tilespmem:$0x9000] =	vst v63  }
0x7a: {  	_ =	swait.ge [sflag:s4], $0x4000  }
0x7b: {  	[sflag:s4] =	ssyncset.done $0x0  }
0x7c: {  	[sflag:s4] =	ssyncadd.s32 $0xFFFFC000  }
0x7d: {  	[tilespmem:s6], [sflag:$0x1] =	stream.indirect.gather [hbm4b:s3+s8], $0x80, s25, s8, $0xb8;
	[tilespmem:$0x9000] =	vst v63  }
0x7e: {  	_ =	swait.ge [sflag:s7], $0x4000  }
0x7f: {  	[sflag:s7] =	ssyncset.done $0x0  }
0x80: {  	s0 =	rddreg [dreg:$0xd];
	[sflag:s7] =	ssyncadd.s32 $0xFFFFC000  }
0x81: {  	[hbm4b:s0+s2] =	stream.linear.scatter [tilespmem:s5], [sflag:$0x3], $0x4000, $0x38;
	[tilespmem:$0x9000] =	vst v63  }
0x82: {  	_ =	swait.ge [sflag:s4], $0x4000  }
0x83: {  	[sflag:s4] =	ssyncset.done $0x0  }
0x84: {  	[sflag:s4] =	ssyncadd.s32 $0xFFFFC000  }
0x85: {  	[tilespmem:s5], [sflag:$0x2] =	stream.indirect.gather [hbm4b:s3+s8], $0x80, s24, s8, $0xb8;
	[tilespmem:$0x9000] =	vst v63  }
0x86: {  	_ =	swait.ge [sflag:s9], $0x4000  }
0x87: {  	[sflag:s9] =	ssyncset.done $0x0  }
0x88: {  	s0 =	rddreg [dreg:$0xe];
	[sflag:s9] =	ssyncadd.s32 $0xFFFFC000  }
0x89: {  	[hbm4b:s0+s2] =	stream.linear.scatter [tilespmem:s6], [sflag:$0x3], $0x4000, $0x38;
	[tilespmem:$0x9000] =	vst v63  }
0x8a: {  	_ =	swait.ge [sflag:s4], $0x4000  }
0x8b: {  	[sflag:s4] =	ssyncset.done $0x0  }
0x8c: {  	[sflag:s4] =	ssyncadd.s32 $0xFFFFC000  }
0x8d: {  	[tilespmem:s6], [sflag:$0x1] =	stream.indirect.gather [hbm4b:s3+s8], $0x80, s23, s8, $0xb8;
	[tilespmem:$0x9000] =	vst v63  }
0x8e: {  	_ =	swait.ge [sflag:s7], $0x4000  }
0x8f: {  	[sflag:s7] =	ssyncset.done $0x0  }
0x90: {  	s0 =	rddreg [dreg:$0xf];
	[sflag:s7] =	ssyncadd.s32 $0xFFFFC000  }
0x91: {  	[hbm4b:s0+s2] =	stream.linear.scatter [tilespmem:s5], [sflag:$0x3], $0x4000, $0x38;
	[tilespmem:$0x9000] =	vst v63  }
0x92: {  	_ =	swait.ge [sflag:s4], $0x4000  }
0x93: {  	[sflag:s4] =	ssyncset.done $0x0  }
0x94: {  	[sflag:s4] =	ssyncadd.s32 $0xFFFFC000  }
0x95: {  	[tilespmem:s5], [sflag:$0x2] =	stream.indirect.gather [hbm4b:s3+s8], $0x80, s22, s8, $0xb8;
	[tilespmem:$0x9000] =	vst v63  }
0x96: {  	_ =	swait.ge [sflag:s9], $0x4000  }
0x97: {  	[sflag:s9] =	ssyncset.done $0x0  }
0x98: {  	s0 =	rddreg [dreg:$0x10];
	[sflag:s9] =	ssyncadd.s32 $0xFFFFC000  }
0x99: {  	[hbm4b:s0+s2] =	stream.linear.scatter [tilespmem:s6], [sflag:$0x3], $0x4000, $0x38;
	[tilespmem:$0x9000] =	vst v63  }
0x9a: {  	_ =	swait.ge [sflag:s4], $0x4000  }
0x9b: {  	[sflag:s4] =	ssyncset.done $0x0  }
0x9c: {  	[sflag:s4] =	ssyncadd.s32 $0xFFFFC000  }
0x9d: {  	[tilespmem:s6], [sflag:$0x1] =	stream.indirect.gather [hbm4b:s3+s8], $0x80, s21, s8, $0xb8;
	[tilespmem:$0x9000] =	vst v63  }
0x9e: {  	_ =	swait.ge [sflag:s7], $0x4000  }
0x9f: {  	[sflag:s7] =	ssyncset.done $0x0  }
0xa0: {  	s0 =	rddreg [dreg:$0x11];
	[sflag:s7] =	ssyncadd.s32 $0xFFFFC000  }
0xa1: {  	[hbm4b:s0+s2] =	stream.linear.scatter [tilespmem:s5], [sflag:$0x3], $0x4000, $0x38;
	[tilespmem:$0x9000] =	vst v63  }
0xa2: {  	_ =	swait.ge [sflag:s4], $0x4000  }
0xa3: {  	[sflag:s4] =	ssyncset.done $0x0  }
0xa4: {  	[sflag:s4] =	ssyncadd.s32 $0xFFFFC000  }
0xa5: {  	[tilespmem:s5], [sflag:$0x2] =	stream.indirect.gather [hbm4b:s3+s8], $0x80, s20, s8, $0xb8;
	[tilespmem:$0x9000] =	vst v63  }
0xa6: {  	_ =	swait.ge [sflag:s9], $0x4000  }
0xa7: {  	[sflag:s9] =	ssyncset.done $0x0  }
0xa8: {  	s0 =	rddreg [dreg:$0x12];
	[sflag:s9] =	ssyncadd.s32 $0xFFFFC000  }
0xa9: {  	[hbm4b:s0+s2] =	stream.linear.scatter [tilespmem:s6], [sflag:$0x3], $0x4000, $0x38;
	[tilespmem:$0x9000] =	vst v63  }
0xaa: {  	_ =	swait.ge [sflag:s4], $0x4000  }
0xab: {  	[sflag:s4] =	ssyncset.done $0x0  }
0xac: {  	[sflag:s4] =	ssyncadd.s32 $0xFFFFC000  }
0xad: {  	[tilespmem:s6], [sflag:$0x1] =	stream.indirect.gather [hbm4b:s3+s8], $0x80, s19, s8, $0xb8;
	[tilespmem:$0x9000] =	vst v63  }
0xae: {  	_ =	swait.ge [sflag:s7], $0x4000  }
0xaf: {  	[sflag:s7] =	ssyncset.done $0x0  }
0xb0: {  	s0 =	rddreg [dreg:$0x13];
	[sflag:s7] =	ssyncadd.s32 $0xFFFFC000  }
0xb1: {  	[hbm4b:s0+s2] =	stream.linear.scatter [tilespmem:s5], [sflag:$0x3], $0x4000, $0x38;
	[tilespmem:$0x9000] =	vst v63  }
0xb2: {  	_ =	swait.ge [sflag:s4], $0x4000  }
0xb3: {  	[sflag:s4] =	ssyncset.done $0x0  }
0xb4: {  	[sflag:s4] =	ssyncadd.s32 $0xFFFFC000  }
0xb5: {  	[tilespmem:s5], [sflag:$0x2] =	stream.indirect.gather [hbm4b:s3+s8], $0x80, s18, s8, $0xb8;
	[tilespmem:$0x9000] =	vst v63  }
0xb6: {  	_ =	swait.ge [sflag:s9], $0x4000  }
0xb7: {  	[sflag:s9] =	ssyncset.done $0x0  }
0xb8: {  	s0 =	rddreg [dreg:$0x14];
	[sflag:s9] =	ssyncadd.s32 $0xFFFFC000  }
0xb9: {  	[hbm4b:s0+s2] =	stream.linear.scatter [tilespmem:s6], [sflag:$0x3], $0x4000, $0x38;
	[tilespmem:$0x9000] =	vst v63  }
0xba: {  	_ =	swait.ge [sflag:s4], $0x4000  }
0xbb: {  	[sflag:s4] =	ssyncset.done $0x0  }
0xbc: {  	[sflag:s4] =	ssyncadd.s32 $0xFFFFC000  }
0xbd: {  	[tilespmem:s6], [sflag:$0x1] =	stream.indirect.gather [hbm4b:s3+s8], $0x80, s17, s8, $0xb8;
	[tilespmem:$0x9000] =	vst v63  }
0xbe: {  	_ =	swait.ge [sflag:s7], $0x4000  }
0xbf: {  	[sflag:s7] =	ssyncset.done $0x0  }
0xc0: {  	s0 =	rddreg [dreg:$0x15];
	[sflag:s7] =	ssyncadd.s32 $0xFFFFC000  }
0xc1: {  	[hbm4b:s0+s2] =	stream.linear.scatter [tilespmem:s5], [sflag:$0x3], $0x4000, $0x38;
	[tilespmem:$0x9000] =	vst v63  }
0xc2: {  	_ =	swait.ge [sflag:s4], $0x4000  }
0xc3: {  	[sflag:s4] =	ssyncset.done $0x0  }
0xc4: {  	[sflag:s4] =	ssyncadd.s32 $0xFFFFC000  }
0xc5: {  	[tilespmem:s5], [sflag:$0x2] =	stream.indirect.gather [hbm4b:s3+s8], $0x80, s16, s8, $0xb8;
	[tilespmem:$0x9000] =	vst v63  }
0xc6: {  	_ =	swait.ge [sflag:s9], $0x4000  }
0xc7: {  	[sflag:s9] =	ssyncset.done $0x0  }
0xc8: {  	s0 =	rddreg [dreg:$0x16];
	[sflag:s9] =	ssyncadd.s32 $0xFFFFC000  }
0xc9: {  	[hbm4b:s0+s2] =	stream.linear.scatter [tilespmem:s6], [sflag:$0x3], $0x4000, $0x38;
	[tilespmem:$0x9000] =	vst v63  }
0xca: {  	_ =	swait.ge [sflag:s4], $0x4000  }
0xcb: {  	[sflag:s4] =	ssyncset.done $0x0  }
0xcc: {  	[sflag:s4] =	ssyncadd.s32 $0xFFFFC000  }
0xcd: {  	[tilespmem:s6], [sflag:$0x1] =	stream.indirect.gather [hbm4b:s3+s8], $0x80, s15, s8, $0xb8;
	[tilespmem:$0x9000] =	vst v63  }
0xce: {  	_ =	swait.ge [sflag:s7], $0x4000  }
0xcf: {  	[sflag:s7] =	ssyncset.done $0x0  }
0xd0: {  	s0 =	rddreg [dreg:$0x17];
	[sflag:s7] =	ssyncadd.s32 $0xFFFFC000  }
0xd1: {  	[hbm4b:s0+s2] =	stream.linear.scatter [tilespmem:s5], [sflag:$0x3], $0x4000, $0x38;
	[tilespmem:$0x9000] =	vst v63  }
0xd2: {  	_ =	swait.ge [sflag:s4], $0x4000  }
0xd3: {  	[sflag:s4] =	ssyncset.done $0x0  }
0xd4: {  	[sflag:s4] =	ssyncadd.s32 $0xFFFFC000  }
0xd5: {  	[tilespmem:s5], [sflag:$0x2] =	stream.indirect.gather [hbm4b:s3+s8], $0x80, s14, s8, $0xb8;
	[tilespmem:$0x9000] =	vst v63  }
0xd6: {  	_ =	swait.ge [sflag:s9], $0x4000  }
0xd7: {  	[sflag:s9] =	ssyncset.done $0x0  }
0xd8: {  	s0 =	rddreg [dreg:$0x18];
	[sflag:s9] =	ssyncadd.s32 $0xFFFFC000  }
0xd9: {  	[hbm4b:s0+s2] =	stream.linear.scatter [tilespmem:s6], [sflag:$0x3], $0x4000, $0x38;
	[tilespmem:$0x9000] =	vst v63  }
0xda: {  	_ =	swait.ge [sflag:s4], $0x4000  }
0xdb: {  	[sflag:s4] =	ssyncset.done $0x0  }
0xdc: {  	[sflag:s4] =	ssyncadd.s32 $0xFFFFC000  }
0xdd: {  	[tilespmem:s6], [sflag:$0x1] =	stream.indirect.gather [hbm4b:s3+s8], $0x80, s13, s8, $0xb8;
	[tilespmem:$0x9000] =	vst v63  }
0xde: {  	_ =	swait.ge [sflag:s7], $0x4000  }
0xdf: {  	[sflag:s7] =	ssyncset.done $0x0  }
0xe0: {  	s0 =	rddreg [dreg:$0x19];
	[sflag:s7] =	ssyncadd.s32 $0xFFFFC000  }
0xe1: {  	[hbm4b:s0+s2] =	stream.linear.scatter [tilespmem:s5], [sflag:$0x3], $0x4000, $0x38;
	[tilespmem:$0x9000] =	vst v63  }
0xe2: {  	_ =	swait.ge [sflag:s4], $0x4000  }
0xe3: {  	[sflag:s4] =	ssyncset.done $0x0  }
0xe4: {  	[sflag:s4] =	ssyncadd.s32 $0xFFFFC000  }
0xe5: {  	[tilespmem:s5], [sflag:$0x2] =	stream.indirect.gather [hbm4b:s3+s8], $0x80, s12, s8, $0xb8;
	[tilespmem:$0x9000] =	vst v63  }
0xe6: {  	_ =	swait.ge [sflag:s9], $0x4000  }
0xe7: {  	[sflag:s9] =	ssyncset.done $0x0  }
0xe8: {  	s0 =	rddreg [dreg:$0x1a];
	[sflag:s9] =	ssyncadd.s32 $0xFFFFC000  }
0xe9: {  	[hbm4b:s0+s2] =	stream.linear.scatter [tilespmem:s6], [sflag:$0x3], $0x4000, $0x38;
	[tilespmem:$0x9000] =	vst v63  }
0xea: {  	_ =	swait.ge [sflag:s4], $0x4000  }
0xeb: {  	[sflag:s4] =	ssyncset.done $0x0  }
0xec: {  	[sflag:s4] =	ssyncadd.s32 $0xFFFFC000  }
0xed: {  	[tilespmem:s6], [sflag:$0x1] =	stream.indirect.gather [hbm4b:s3+s8], $0x80, s11, s8, $0xb8;
	[tilespmem:$0x9000] =	vst v63  }
0xee: {  	_ =	swait.ge [sflag:s7], $0x4000  }
0xef: {  	[sflag:s7] =	ssyncset.done $0x0  }
0xf0: {  	s0 =	rddreg [dreg:$0x1b];
	[sflag:s7] =	ssyncadd.s32 $0xFFFFC000  }
0xf1: {  	[hbm4b:s0+s2] =	stream.linear.scatter [tilespmem:s5], [sflag:$0x3], $0x4000, $0x38;
	[tilespmem:$0x9000] =	vst v63  }
0xf2: {  	_ =	swait.ge [sflag:s4], $0x4000  }
0xf3: {  	[sflag:s4] =	ssyncset.done $0x0  }
0xf4: {  	[sflag:s4] =	ssyncadd.s32 $0xFFFFC000  }
0xf5: {  	[tilespmem:s5], [sflag:$0x2] =	stream.indirect.gather [hbm4b:s3+s8], $0x80, s10, s8, $0xb8;
	[tilespmem:$0x9000] =	vst v63  }
0xf6: {  	_ =	swait.ge [sflag:s9], $0x4000  }
0xf7: {  	[sflag:s9] =	ssyncset.done $0x0  }
0xf8: {  	s0 =	rddreg [dreg:$0x1c];
	[sflag:s9] =	ssyncadd.s32 $0xFFFFC000  }
0xf9: {  	[hbm4b:s0+s2] =	stream.linear.scatter [tilespmem:s6], [sflag:$0x3], $0x4000, $0x38;
	[tilespmem:$0x9000] =	vst v63  }
0xfa: {  	_ =	swait.ge [sflag:s4], $0x4000  }
0xfb: {  	[sflag:s4] =	ssyncset.done $0x0  }
0xfc: {  	[sflag:s4] =	ssyncadd.s32 $0xFFFFC000  }
0xfd: {  	p1 =	sne.s32 s1, $0x1;
	_ =	swait.ge [sflag:s7], $0x4000  }
.Ltmp1:
0xfe: {  	[sflag:s7] =	ssyncset.done $0x0;
	(pc) =	sbr.rel @!p1 .LBB2_3-.Ltmp1, $4  }
0xff: {  	s0 =	rddreg [dreg:$0x1d];
	[sflag:s7] =	ssyncadd.s32 $0xFFFFC000  }
0x100: {  	[hbm4b:s0+s2] =	stream.linear.scatter [tilespmem:s5], [sflag:$0x3], $0x4000, $0x38;
	[tilespmem:$0x9000] =	vst v63  }
0x101: {  	s1 =	sadd.s32 $0xFFFFFFFF, s1;
	_ =	swait.ge [sflag:s4], $0x4000  }
0x102: {  	p0 =	por $0x1, $0x1;
	s0 =	rddreg [dreg:$0x4];
	[sflag:s4] =	ssyncset.done $0x0  }
.LBB2_2:
0x103: {  	[sflag:s4] =	ssyncadd.s32 $0xFFFFC000  }
0x104: {  	[tilespmem:s2], [sflag:$0x3] =	stream.linear.gather [hbm4b:s0+s2], $0xD00, $0x38;
	[tilespmem:$0x9000] =	vst v63  }
0x105: {  	_ =	swait.ge [sflag:s4], $0xD00  }
0x106: {  	[sflag:s4] =	ssyncset.done $0x0  }
0x107: {  	[sflag:s4] =	ssyncadd.s32 $0xFFFFF300  }
0x108: {  	[tilespmem:s6], [sflag:$0x1] =	stream.indirect.gather [hbm4b:s3+s8], $0x80, s2, s8, $0xb8;
	[tilespmem:$0x9000] =	vst v63  }
0x109: {  	_ = 	snop  }
0x10a: {  	[tilespmem:s5], [sflag:$0x2] =	stream.indirect.gather [hbm4b:s3+s8], $0x80, s8, s8, $0xb8;
	[tilespmem:$0x9000] =	vst v63  }
0x10b: {  	_ =	swait.ge [sflag:s9], $0x4000  }
0x10c: {  	[sflag:s9] =	ssyncset.done $0x0  }
0x10d: {  	[sflag:s9] =	ssyncadd.s32 $0xFFFFC000  }
0x10e: {  	[hbm4b:s26+s2] =	stream.linear.scatter [tilespmem:s6], [sflag:$0x3], $0x4000, $0x38;
	[tilespmem:$0x9000] =	vst v63  }
0x10f: {  	_ =	swait.ge [sflag:s4], $0x4000  }
0x110: {  	[sflag:s4] =	ssyncset.done $0x0  }
0x111: {  	s0 =	rddreg [dreg:$0x1e];
	[sflag:s4] =	ssyncadd.s32 $0xFFFFC000  }
0x112: {  	[tilespmem:s6], [sflag:$0x1] =	stream.indirect.gather [hbm4b:s3+s8], $0x80, s0, s8, $0xb8;
	[tilespmem:$0x9000] =	vst v63  }
0x113: {  	_ =	swait.ge [sflag:s7], $0x4000  }
0x114: {  	[sflag:s7] =	ssyncset.done $0x0  }
0x115: {  	s0 =	rddreg [dreg:$0x5];
	[sflag:s7] =	ssyncadd.s32 $0xFFFFC000  }
0x116: {  	[hbm4b:s0+s2] =	stream.linear.scatter [tilespmem:s5], [sflag:$0x3], $0x4000, $0x38;
	[tilespmem:$0x9000] =	vst v63  }
0x117: {  	_ =	swait.ge [sflag:s4], $0x4000  }
0x118: {  	[sflag:s4] =	ssyncset.done $0x0  }
0x119: {  	s0 =	rddreg [dreg:$0x1f];
	[sflag:s4] =	ssyncadd.s32 $0xFFFFC000  }
0x11a: {  	[tilespmem:s5], [sflag:$0x2] =	stream.indirect.gather [hbm4b:s3+s8], $0x80, s0, s8, $0xb8;
	[tilespmem:$0x9000] =	vst v63  }
0x11b: {  	_ =	swait.ge [sflag:s9], $0x4000  }
0x11c: {  	[sflag:s9] =	ssyncset.done $0x0  }
0x11d: {  	s0 =	rddreg [dreg:$0x6];
	[sflag:s9] =	ssyncadd.s32 $0xFFFFC000  }
0x11e: {  	[hbm4b:s0+s2] =	stream.linear.scatter [tilespmem:s6], [sflag:$0x3], $0x4000, $0x38;
	[tilespmem:$0x9000] =	vst v63  }
0x11f: {  	_ =	swait.ge [sflag:s4], $0x4000  }
0x120: {  	s0 =	sld [smem:$0x7FC]  }
0x121: {  	[sflag:s4] =	ssyncset.done $0x0  }
0x122: {  	[sflag:s4] =	ssyncadd.s32 $0xFFFFC000  }
0x123: {  	[tilespmem:s6], [sflag:$0x1] =	stream.indirect.gather [hbm4b:s3+s8], $0x80, s0, s8, $0xb8;
	[tilespmem:$0x9000] =	vst v63  }
0x124: {  	_ =	swait.ge [sflag:s7], $0x4000  }
0x125: {  	[sflag:s7] =	ssyncset.done $0x0  }
0x126: {  	s0 =	rddreg [dreg:$0x7];
	[sflag:s7] =	ssyncadd.s32 $0xFFFFC000  }
0x127: {  	[hbm4b:s0+s2] =	stream.linear.scatter [tilespmem:s5], [sflag:$0x3], $0x4000, $0x38;
	[tilespmem:$0x9000] =	vst v63  }
0x128: {  	_ =	swait.ge [sflag:s4], $0x4000  }
0x129: {  	s0 =	sld [smem:$0x7FD]  }
0x12a: {  	[sflag:s4] =	ssyncset.done $0x0  }
0x12b: {  	[sflag:s4] =	ssyncadd.s32 $0xFFFFC000  }
0x12c: {  	[tilespmem:s5], [sflag:$0x2] =	stream.indirect.gather [hbm4b:s3+s8], $0x80, s0, s8, $0xb8;
	[tilespmem:$0x9000] =	vst v63  }
0x12d: {  	_ =	swait.ge [sflag:s9], $0x4000  }
0x12e: {  	[sflag:s9] =	ssyncset.done $0x0  }
0x12f: {  	s0 =	rddreg [dreg:$0x8];
	[sflag:s9] =	ssyncadd.s32 $0xFFFFC000  }
0x130: {  	[hbm4b:s0+s2] =	stream.linear.scatter [tilespmem:s6], [sflag:$0x3], $0x4000, $0x38;
	[tilespmem:$0x9000] =	vst v63  }
0x131: {  	_ =	swait.ge [sflag:s4], $0x4000  }
0x132: {  	[sflag:s4] =	ssyncset.done $0x0  }
0x133: {  	[sflag:s4] =	ssyncadd.s32 $0xFFFFC000  }
0x134: {  	[tilespmem:s6], [sflag:$0x1] =	stream.indirect.gather [hbm4b:s3+s8], $0x80, s31, s8, $0xb8;
	[tilespmem:$0x9000] =	vst v63  }
0x135: {  	_ =	swait.ge [sflag:s7], $0x4000  }
0x136: {  	[sflag:s7] =	ssyncset.done $0x0  }
0x137: {  	s0 =	rddreg [dreg:$0x9];
	[sflag:s7] =	ssyncadd.s32 $0xFFFFC000  }
0x138: {  	[hbm4b:s0+s2] =	stream.linear.scatter [tilespmem:s5], [sflag:$0x3], $0x4000, $0x38;
	[tilespmem:$0x9000] =	vst v63  }
0x139: {  	_ =	swait.ge [sflag:s4], $0x4000  }
0x13a: {  	[sflag:s4] =	ssyncset.done $0x0  }
0x13b: {  	[sflag:s4] =	ssyncadd.s32 $0xFFFFC000  }
0x13c: {  	[tilespmem:s5], [sflag:$0x2] =	stream.indirect.gather [hbm4b:s3+s8], $0x80, s30, s8, $0xb8;
	[tilespmem:$0x9000] =	vst v63  }
0x13d: {  	_ =	swait.ge [sflag:s9], $0x4000  }
0x13e: {  	[sflag:s9] =	ssyncset.done $0x0  }
0x13f: {  	s0 =	rddreg [dreg:$0xa];
	[sflag:s9] =	ssyncadd.s32 $0xFFFFC000  }
0x140: {  	[hbm4b:s0+s2] =	stream.linear.scatter [tilespmem:s6], [sflag:$0x3], $0x4000, $0x38;
	[tilespmem:$0x9000] =	vst v63  }
0x141: {  	_ =	swait.ge [sflag:s4], $0x4000  }
0x142: {  	[sflag:s4] =	ssyncset.done $0x0  }
0x143: {  	[sflag:s4] =	ssyncadd.s32 $0xFFFFC000  }
0x144: {  	[tilespmem:s6], [sflag:$0x1] =	stream.indirect.gather [hbm4b:s3+s8], $0x80, s29, s8, $0xb8;
	[tilespmem:$0x9000] =	vst v63  }
0x145: {  	_ =	swait.ge [sflag:s7], $0x4000  }
0x146: {  	[sflag:s7] =	ssyncset.done $0x0  }
0x147: {  	s0 =	rddreg [dreg:$0xb];
	[sflag:s7] =	ssyncadd.s32 $0xFFFFC000  }
0x148: {  	[hbm4b:s0+s2] =	stream.linear.scatter [tilespmem:s5], [sflag:$0x3], $0x4000, $0x38;
	[tilespmem:$0x9000] =	vst v63  }
0x149: {  	_ =	swait.ge [sflag:s4], $0x4000  }
0x14a: {  	[sflag:s4] =	ssyncset.done $0x0  }
0x14b: {  	[sflag:s4] =	ssyncadd.s32 $0xFFFFC000  }
0x14c: {  	[tilespmem:s5], [sflag:$0x2] =	stream.indirect.gather [hbm4b:s3+s8], $0x80, s28, s8, $0xb8;
	[tilespmem:$0x9000] =	vst v63  }
0x14d: {  	_ =	swait.ge [sflag:s9], $0x4000  }
0x14e: {  	[sflag:s9] =	ssyncset.done $0x0  }
0x14f: {  	s0 =	rddreg [dreg:$0xc];
	[sflag:s9] =	ssyncadd.s32 $0xFFFFC000  }
0x150: {  	[hbm4b:s0+s2] =	stream.linear.scatter [tilespmem:s6], [sflag:$0x3], $0x4000, $0x38;
	[tilespmem:$0x9000] =	vst v63  }
0x151: {  	_ =	swait.ge [sflag:s4], $0x4000  }
0x152: {  	[sflag:s4] =	ssyncset.done $0x0  }
0x153: {  	[sflag:s4] =	ssyncadd.s32 $0xFFFFC000  }
0x154: {  	[tilespmem:s6], [sflag:$0x1] =	stream.indirect.gather [hbm4b:s3+s8], $0x80, s25, s8, $0xb8;
	[tilespmem:$0x9000] =	vst v63  }
0x155: {  	_ =	swait.ge [sflag:s7], $0x4000  }
0x156: {  	[sflag:s7] =	ssyncset.done $0x0  }
0x157: {  	s0 =	rddreg [dreg:$0xd];
	[sflag:s7] =	ssyncadd.s32 $0xFFFFC000  }
0x158: {  	[hbm4b:s0+s2] =	stream.linear.scatter [tilespmem:s5], [sflag:$0x3], $0x4000, $0x38;
	[tilespmem:$0x9000] =	vst v63  }
0x159: {  	_ =	swait.ge [sflag:s4], $0x4000  }
0x15a: {  	[sflag:s4] =	ssyncset.done $0x0  }
0x15b: {  	[sflag:s4] =	ssyncadd.s32 $0xFFFFC000  }
0x15c: {  	[tilespmem:s5], [sflag:$0x2] =	stream.indirect.gather [hbm4b:s3+s8], $0x80, s24, s8, $0xb8;
	[tilespmem:$0x9000] =	vst v63  }
0x15d: {  	_ =	swait.ge [sflag:s9], $0x4000  }
0x15e: {  	[sflag:s9] =	ssyncset.done $0x0  }
0x15f: {  	s0 =	rddreg [dreg:$0xe];
	[sflag:s9] =	ssyncadd.s32 $0xFFFFC000  }
0x160: {  	[hbm4b:s0+s2] =	stream.linear.scatter [tilespmem:s6], [sflag:$0x3], $0x4000, $0x38;
	[tilespmem:$0x9000] =	vst v63  }
0x161: {  	_ =	swait.ge [sflag:s4], $0x4000  }
0x162: {  	[sflag:s4] =	ssyncset.done $0x0  }
0x163: {  	[sflag:s4] =	ssyncadd.s32 $0xFFFFC000  }
0x164: {  	[tilespmem:s6], [sflag:$0x1] =	stream.indirect.gather [hbm4b:s3+s8], $0x80, s23, s8, $0xb8;
	[tilespmem:$0x9000] =	vst v63  }
0x165: {  	_ =	swait.ge [sflag:s7], $0x4000  }
0x166: {  	[sflag:s7] =	ssyncset.done $0x0  }
0x167: {  	s0 =	rddreg [dreg:$0xf];
	[sflag:s7] =	ssyncadd.s32 $0xFFFFC000  }
0x168: {  	[hbm4b:s0+s2] =	stream.linear.scatter [tilespmem:s5], [sflag:$0x3], $0x4000, $0x38;
	[tilespmem:$0x9000] =	vst v63  }
0x169: {  	_ =	swait.ge [sflag:s4], $0x4000  }
0x16a: {  	[sflag:s4] =	ssyncset.done $0x0  }
0x16b: {  	[sflag:s4] =	ssyncadd.s32 $0xFFFFC000  }
0x16c: {  	[tilespmem:s5], [sflag:$0x2] =	stream.indirect.gather [hbm4b:s3+s8], $0x80, s22, s8, $0xb8;
	[tilespmem:$0x9000] =	vst v63  }
0x16d: {  	_ =	swait.ge [sflag:s9], $0x4000  }
0x16e: {  	[sflag:s9] =	ssyncset.done $0x0  }
0x16f: {  	s0 =	rddreg [dreg:$0x10];
	[sflag:s9] =	ssyncadd.s32 $0xFFFFC000  }
0x170: {  	[hbm4b:s0+s2] =	stream.linear.scatter [tilespmem:s6], [sflag:$0x3], $0x4000, $0x38;
	[tilespmem:$0x9000] =	vst v63  }
0x171: {  	_ =	swait.ge [sflag:s4], $0x4000  }
0x172: {  	[sflag:s4] =	ssyncset.done $0x0  }
0x173: {  	[sflag:s4] =	ssyncadd.s32 $0xFFFFC000  }
0x174: {  	[tilespmem:s6], [sflag:$0x1] =	stream.indirect.gather [hbm4b:s3+s8], $0x80, s21, s8, $0xb8;
	[tilespmem:$0x9000] =	vst v63  }
0x175: {  	_ =	swait.ge [sflag:s7], $0x4000  }
0x176: {  	[sflag:s7] =	ssyncset.done $0x0  }
0x177: {  	s0 =	rddreg [dreg:$0x11];
	[sflag:s7] =	ssyncadd.s32 $0xFFFFC000  }
0x178: {  	[hbm4b:s0+s2] =	stream.linear.scatter [tilespmem:s5], [sflag:$0x3], $0x4000, $0x38;
	[tilespmem:$0x9000] =	vst v63  }
0x179: {  	_ =	swait.ge [sflag:s4], $0x4000  }
0x17a: {  	[sflag:s4] =	ssyncset.done $0x0  }
0x17b: {  	[sflag:s4] =	ssyncadd.s32 $0xFFFFC000  }
0x17c: {  	[tilespmem:s5], [sflag:$0x2] =	stream.indirect.gather [hbm4b:s3+s8], $0x80, s20, s8, $0xb8;
	[tilespmem:$0x9000] =	vst v63  }
0x17d: {  	_ =	swait.ge [sflag:s9], $0x4000  }
0x17e: {  	[sflag:s9] =	ssyncset.done $0x0  }
0x17f: {  	s0 =	rddreg [dreg:$0x12];
	[sflag:s9] =	ssyncadd.s32 $0xFFFFC000  }
0x180: {  	[hbm4b:s0+s2] =	stream.linear.scatter [tilespmem:s6], [sflag:$0x3], $0x4000, $0x38;
	[tilespmem:$0x9000] =	vst v63  }
0x181: {  	_ =	swait.ge [sflag:s4], $0x4000  }
0x182: {  	[sflag:s4] =	ssyncset.done $0x0  }
0x183: {  	[sflag:s4] =	ssyncadd.s32 $0xFFFFC000  }
0x184: {  	[tilespmem:s6], [sflag:$0x1] =	stream.indirect.gather [hbm4b:s3+s8], $0x80, s19, s8, $0xb8;
	[tilespmem:$0x9000] =	vst v63  }
0x185: {  	_ =	swait.ge [sflag:s7], $0x4000  }
0x186: {  	[sflag:s7] =	ssyncset.done $0x0  }
0x187: {  	s0 =	rddreg [dreg:$0x13];
	[sflag:s7] =	ssyncadd.s32 $0xFFFFC000  }
0x188: {  	[hbm4b:s0+s2] =	stream.linear.scatter [tilespmem:s5], [sflag:$0x3], $0x4000, $0x38;
	[tilespmem:$0x9000] =	vst v63  }
0x189: {  	_ =	swait.ge [sflag:s4], $0x4000  }
0x18a: {  	[sflag:s4] =	ssyncset.done $0x0  }
0x18b: {  	[sflag:s4] =	ssyncadd.s32 $0xFFFFC000  }
0x18c: {  	[tilespmem:s5], [sflag:$0x2] =	stream.indirect.gather [hbm4b:s3+s8], $0x80, s18, s8, $0xb8;
	[tilespmem:$0x9000] =	vst v63  }
0x18d: {  	_ =	swait.ge [sflag:s9], $0x4000  }
0x18e: {  	[sflag:s9] =	ssyncset.done $0x0  }
0x18f: {  	s0 =	rddreg [dreg:$0x14];
	[sflag:s9] =	ssyncadd.s32 $0xFFFFC000  }
0x190: {  	[hbm4b:s0+s2] =	stream.linear.scatter [tilespmem:s6], [sflag:$0x3], $0x4000, $0x38;
	[tilespmem:$0x9000] =	vst v63  }
0x191: {  	_ =	swait.ge [sflag:s4], $0x4000  }
0x192: {  	[sflag:s4] =	ssyncset.done $0x0  }
0x193: {  	[sflag:s4] =	ssyncadd.s32 $0xFFFFC000  }
0x194: {  	[tilespmem:s6], [sflag:$0x1] =	stream.indirect.gather [hbm4b:s3+s8], $0x80, s17, s8, $0xb8;
	[tilespmem:$0x9000] =	vst v63  }
0x195: {  	_ =	swait.ge [sflag:s7], $0x4000  }
0x196: {  	[sflag:s7] =	ssyncset.done $0x0  }
0x197: {  	s0 =	rddreg [dreg:$0x15];
	[sflag:s7] =	ssyncadd.s32 $0xFFFFC000  }
0x198: {  	[hbm4b:s0+s2] =	stream.linear.scatter [tilespmem:s5], [sflag:$0x3], $0x4000, $0x38;
	[tilespmem:$0x9000] =	vst v63  }
0x199: {  	_ =	swait.ge [sflag:s4], $0x4000  }
0x19a: {  	[sflag:s4] =	ssyncset.done $0x0  }
0x19b: {  	[sflag:s4] =	ssyncadd.s32 $0xFFFFC000  }
0x19c: {  	[tilespmem:s5], [sflag:$0x2] =	stream.indirect.gather [hbm4b:s3+s8], $0x80, s16, s8, $0xb8;
	[tilespmem:$0x9000] =	vst v63  }
0x19d: {  	_ =	swait.ge [sflag:s9], $0x4000  }
0x19e: {  	[sflag:s9] =	ssyncset.done $0x0  }
0x19f: {  	s0 =	rddreg [dreg:$0x16];
	[sflag:s9] =	ssyncadd.s32 $0xFFFFC000  }
0x1a0: {  	[hbm4b:s0+s2] =	stream.linear.scatter [tilespmem:s6], [sflag:$0x3], $0x4000, $0x38;
	[tilespmem:$0x9000] =	vst v63  }
0x1a1: {  	_ =	swait.ge [sflag:s4], $0x4000  }
0x1a2: {  	[sflag:s4] =	ssyncset.done $0x0  }
0x1a3: {  	[sflag:s4] =	ssyncadd.s32 $0xFFFFC000  }
0x1a4: {  	[tilespmem:s6], [sflag:$0x1] =	stream.indirect.gather [hbm4b:s3+s8], $0x80, s15, s8, $0xb8;
	[tilespmem:$0x9000] =	vst v63  }
0x1a5: {  	_ =	swait.ge [sflag:s7], $0x4000  }
0x1a6: {  	[sflag:s7] =	ssyncset.done $0x0  }
0x1a7: {  	s0 =	rddreg [dreg:$0x17];
	[sflag:s7] =	ssyncadd.s32 $0xFFFFC000  }
0x1a8: {  	[hbm4b:s0+s2] =	stream.linear.scatter [tilespmem:s5], [sflag:$0x3], $0x4000, $0x38;
	[tilespmem:$0x9000] =	vst v63  }
0x1a9: {  	_ =	swait.ge [sflag:s4], $0x4000  }
0x1aa: {  	[sflag:s4] =	ssyncset.done $0x0  }
0x1ab: {  	[sflag:s4] =	ssyncadd.s32 $0xFFFFC000  }
0x1ac: {  	[tilespmem:s5], [sflag:$0x2] =	stream.indirect.gather [hbm4b:s3+s8], $0x80, s14, s8, $0xb8;
	[tilespmem:$0x9000] =	vst v63  }
0x1ad: {  	_ =	swait.ge [sflag:s9], $0x4000  }
0x1ae: {  	[sflag:s9] =	ssyncset.done $0x0  }
0x1af: {  	s0 =	rddreg [dreg:$0x18];
	[sflag:s9] =	ssyncadd.s32 $0xFFFFC000  }
0x1b0: {  	[hbm4b:s0+s2] =	stream.linear.scatter [tilespmem:s6], [sflag:$0x3], $0x4000, $0x38;
	[tilespmem:$0x9000] =	vst v63  }
0x1b1: {  	_ =	swait.ge [sflag:s4], $0x4000  }
0x1b2: {  	[sflag:s4] =	ssyncset.done $0x0  }
0x1b3: {  	[sflag:s4] =	ssyncadd.s32 $0xFFFFC000  }
0x1b4: {  	[tilespmem:s6], [sflag:$0x1] =	stream.indirect.gather [hbm4b:s3+s8], $0x80, s13, s8, $0xb8;
	[tilespmem:$0x9000] =	vst v63  }
0x1b5: {  	_ =	swait.ge [sflag:s7], $0x4000  }
0x1b6: {  	[sflag:s7] =	ssyncset.done $0x0  }
0x1b7: {  	s0 =	rddreg [dreg:$0x19];
	[sflag:s7] =	ssyncadd.s32 $0xFFFFC000  }
0x1b8: {  	[hbm4b:s0+s2] =	stream.linear.scatter [tilespmem:s5], [sflag:$0x3], $0x4000, $0x38;
	[tilespmem:$0x9000] =	vst v63  }
0x1b9: {  	_ =	swait.ge [sflag:s4], $0x4000  }
0x1ba: {  	[sflag:s4] =	ssyncset.done $0x0  }
0x1bb: {  	[sflag:s4] =	ssyncadd.s32 $0xFFFFC000  }
0x1bc: {  	[tilespmem:s5], [sflag:$0x2] =	stream.indirect.gather [hbm4b:s3+s8], $0x80, s12, s8, $0xb8;
	[tilespmem:$0x9000] =	vst v63  }
0x1bd: {  	_ =	swait.ge [sflag:s9], $0x4000  }
0x1be: {  	[sflag:s9] =	ssyncset.done $0x0  }
0x1bf: {  	s0 =	rddreg [dreg:$0x1a];
	[sflag:s9] =	ssyncadd.s32 $0xFFFFC000  }
0x1c0: {  	[hbm4b:s0+s2] =	stream.linear.scatter [tilespmem:s6], [sflag:$0x3], $0x4000, $0x38;
	[tilespmem:$0x9000] =	vst v63  }
0x1c1: {  	_ =	swait.ge [sflag:s4], $0x4000  }
0x1c2: {  	[sflag:s4] =	ssyncset.done $0x0  }
0x1c3: {  	[sflag:s4] =	ssyncadd.s32 $0xFFFFC000  }
0x1c4: {  	[tilespmem:s6], [sflag:$0x1] =	stream.indirect.gather [hbm4b:s3+s8], $0x80, s11, s8, $0xb8;
	[tilespmem:$0x9000] =	vst v63  }
0x1c5: {  	_ =	swait.ge [sflag:s7], $0x4000  }
0x1c6: {  	[sflag:s7] =	ssyncset.done $0x0  }
0x1c7: {  	s0 =	rddreg [dreg:$0x1b];
	[sflag:s7] =	ssyncadd.s32 $0xFFFFC000  }
0x1c8: {  	[hbm4b:s0+s2] =	stream.linear.scatter [tilespmem:s5], [sflag:$0x3], $0x4000, $0x38;
	[tilespmem:$0x9000] =	vst v63  }
0x1c9: {  	_ =	swait.ge [sflag:s4], $0x4000  }
0x1ca: {  	[sflag:s4] =	ssyncset.done $0x0  }
0x1cb: {  	[sflag:s4] =	ssyncadd.s32 $0xFFFFC000  }
0x1cc: {  	[tilespmem:s5], [sflag:$0x2] =	stream.indirect.gather [hbm4b:s3+s8], $0x80, s10, s8, $0xb8;
	[tilespmem:$0x9000] =	vst v63  }
0x1cd: {  	_ =	swait.ge [sflag:s9], $0x4000  }
0x1ce: {  	[sflag:s9] =	ssyncset.done $0x0  }
0x1cf: {  	s0 =	rddreg [dreg:$0x1c];
	[sflag:s9] =	ssyncadd.s32 $0xFFFFC000  }
0x1d0: {  	[hbm4b:s0+s2] =	stream.linear.scatter [tilespmem:s6], [sflag:$0x3], $0x4000, $0x38;
	[tilespmem:$0x9000] =	vst v63  }
0x1d1: {  	_ =	swait.ge [sflag:s4], $0x4000  }
0x1d2: {  	[sflag:s4] =	ssyncset.done $0x0  }
0x1d3: {  	[sflag:s4] =	ssyncadd.s32 $0xFFFFC000  }
0x1d4: {  	p1 =	sne.s32 s1, $0x1;
	_ =	swait.ge [sflag:s7], $0x4000  }
.Ltmp2:
0x1d5: {  	[sflag:s7] =	ssyncset.done $0x0;
	(pc) =	sbr.rel @p1 .LBB2_2-.Ltmp2, $4  }
0x1d6: {  	s0 =	rddreg [dreg:$0x1d];
	[sflag:s7] =	ssyncadd.s32 $0xFFFFC000  }
0x1d7: {  	[hbm4b:s0+s2] =	stream.linear.scatter [tilespmem:s5], [sflag:$0x3], $0x4000, $0x38;
	[tilespmem:$0x9000] =	vst v63  }
0x1d8: {  	_ =	swait.ge [sflag:s4], $0x4000  }
0x1d9: {  	s1 =	sadd.s32 $0xFFFFFFFF, s1;
	s0 =	rddreg [dreg:$0x4];
	[sflag:s4] =	ssyncset.done $0x0  }
.LBB2_3:
0x1da: {  	[sflag:s4] =	ssyncadd.s32 @p0 $0xFFFFC000  }
0x1db: {  	[tilespmem:s2], [sflag:$0x3] =	stream.linear.gather [hbm4b:s0+s2], $0xD00, $0x38;
	[tilespmem:$0x9000] =	vst v63  }
0x1dc: {  	_ =	swait.ge [sflag:s4], $0xD00  }
0x1dd: {  	[sflag:s4] =	ssyncset.done $0x0  }
0x1de: {  	[sflag:s4] =	ssyncadd.s32 $0xFFFFF300  }
0x1df: {  	[tilespmem:s6], [sflag:$0x1] =	stream.indirect.gather [hbm4b:s3+s8], $0x80, s2, s8, $0xb8;
	[tilespmem:$0x9000] =	vst v63  }
0x1e0: {  	_ = 	snop  }
0x1e1: {  	[tilespmem:s5], [sflag:$0x2] =	stream.indirect.gather [hbm4b:s3+s8], $0x80, s8, s8, $0xb8;
	[tilespmem:$0x9000] =	vst v63  }
0x1e2: {  	_ =	swait.ge [sflag:s9], $0x4000  }
0x1e3: {  	[sflag:s9] =	ssyncset.done $0x0  }
0x1e4: {  	[sflag:s9] =	ssyncadd.s32 $0xFFFFC000  }
0x1e5: {  	[hbm4b:s26+s2] =	stream.linear.scatter [tilespmem:s6], [sflag:$0x3], $0x4000, $0x38;
	[tilespmem:$0x9000] =	vst v63  }
0x1e6: {  	_ =	swait.ge [sflag:s4], $0x4000  }
0x1e7: {  	[sflag:s4] =	ssyncset.done $0x0  }
0x1e8: {  	s26 =	rddreg [dreg:$0x1e];
	[sflag:s4] =	ssyncadd.s32 $0xFFFFC000  }
0x1e9: {  	[tilespmem:s6], [sflag:$0x1] =	stream.indirect.gather [hbm4b:s3+s8], $0x80, s26, s8, $0xb8;
	[tilespmem:$0x9000] =	vst v63  }
0x1ea: {  	_ =	swait.ge [sflag:s7], $0x4000  }
0x1eb: {  	[sflag:s7] =	ssyncset.done $0x0  }
0x1ec: {  	s1 =	rddreg [dreg:$0x5];
	[sflag:s7] =	ssyncadd.s32 $0xFFFFC000  }
0x1ed: {  	[hbm4b:s1+s2] =	stream.linear.scatter [tilespmem:s5], [sflag:$0x3], $0x4000, $0x38;
	[tilespmem:$0x9000] =	vst v63  }
0x1ee: {  	_ =	swait.ge [sflag:s4], $0x4000  }
0x1ef: {  	[sflag:s4] =	ssyncset.done $0x0  }
0x1f0: {  	s26 =	rddreg [dreg:$0x1f];
	[sflag:s4] =	ssyncadd.s32 $0xFFFFC000  }
0x1f1: {  	[tilespmem:s5], [sflag:$0x2] =	stream.indirect.gather [hbm4b:s3+s8], $0x80, s26, s8, $0xb8;
	[tilespmem:$0x9000] =	vst v63  }
0x1f2: {  	_ =	swait.ge [sflag:s9], $0x4000  }
0x1f3: {  	[sflag:s9] =	ssyncset.done $0x0  }
0x1f4: {  	s1 =	rddreg [dreg:$0x6];
	[sflag:s9] =	ssyncadd.s32 $0xFFFFC000  }
0x1f5: {  	[hbm4b:s1+s2] =	stream.linear.scatter [tilespmem:s6], [sflag:$0x3], $0x4000, $0x38;
	[tilespmem:$0x9000] =	vst v63  }
0x1f6: {  	_ =	swait.ge [sflag:s4], $0x4000  }
0x1f7: {  	s26 =	sld [smem:$0x7FC]  }
0x1f8: {  	[sflag:s4] =	ssyncset.done $0x0  }
0x1f9: {  	[sflag:s4] =	ssyncadd.s32 $0xFFFFC000  }
0x1fa: {  	[tilespmem:s6], [sflag:$0x1] =	stream.indirect.gather [hbm4b:s3+s8], $0x80, s26, s8, $0xb8;
	[tilespmem:$0x9000] =	vst v63  }
0x1fb: {  	_ =	swait.ge [sflag:s7], $0x4000  }
0x1fc: {  	[sflag:s7] =	ssyncset.done $0x0  }
0x1fd: {  	s1 =	rddreg [dreg:$0x7];
	[sflag:s7] =	ssyncadd.s32 $0xFFFFC000  }
0x1fe: {  	[hbm4b:s1+s2] =	stream.linear.scatter [tilespmem:s5], [sflag:$0x3], $0x4000, $0x38;
	[tilespmem:$0x9000] =	vst v63  }
0x1ff: {  	_ =	swait.ge [sflag:s4], $0x4000  }
0x200: {  	s26 =	sld [smem:$0x7FD]  }
0x201: {  	[sflag:s4] =	ssyncset.done $0x0  }
0x202: {  	[sflag:s4] =	ssyncadd.s32 $0xFFFFC000  }
0x203: {  	[tilespmem:s5], [sflag:$0x2] =	stream.indirect.gather [hbm4b:s3+s8], $0x80, s26, s8, $0xb8;
	[tilespmem:$0x9000] =	vst v63  }
0x204: {  	_ =	swait.ge [sflag:s9], $0x4000  }
0x205: {  	[sflag:s9] =	ssyncset.done $0x0  }
0x206: {  	s1 =	rddreg [dreg:$0x8];
	[sflag:s9] =	ssyncadd.s32 $0xFFFFC000  }
0x207: {  	[hbm4b:s1+s2] =	stream.linear.scatter [tilespmem:s6], [sflag:$0x3], $0x4000, $0x38;
	[tilespmem:$0x9000] =	vst v63  }
0x208: {  	_ =	swait.ge [sflag:s4], $0x4000  }
0x209: {  	[sflag:s4] =	ssyncset.done $0x0  }
0x20a: {  	[sflag:s4] =	ssyncadd.s32 $0xFFFFC000  }
0x20b: {  	[tilespmem:s6], [sflag:$0x1] =	stream.indirect.gather [hbm4b:s3+s8], $0x80, s31, s8, $0xb8;
	[tilespmem:$0x9000] =	vst v63  }
0x20c: {  	_ =	swait.ge [sflag:s7], $0x4000  }
0x20d: {  	[sflag:s7] =	ssyncset.done $0x0  }
0x20e: {  	s26 =	rddreg [dreg:$0x9];
	[sflag:s7] =	ssyncadd.s32 $0xFFFFC000  }
0x20f: {  	[hbm4b:s26+s2] =	stream.linear.scatter [tilespmem:s5], [sflag:$0x3], $0x4000, $0x38;
	[tilespmem:$0x9000] =	vst v63  }
0x210: {  	_ =	swait.ge [sflag:s4], $0x4000  }
0x211: {  	[sflag:s4] =	ssyncset.done $0x0  }
0x212: {  	[sflag:s4] =	ssyncadd.s32 $0xFFFFC000  }
0x213: {  	[tilespmem:s5], [sflag:$0x2] =	stream.indirect.gather [hbm4b:s3+s8], $0x80, s30, s8, $0xb8;
	[tilespmem:$0x9000] =	vst v63  }
0x214: {  	_ =	swait.ge [sflag:s9], $0x4000  }
0x215: {  	[sflag:s9] =	ssyncset.done $0x0  }
0x216: {  	s30 =	rddreg [dreg:$0xa];
	[sflag:s9] =	ssyncadd.s32 $0xFFFFC000  }
0x217: {  	[hbm4b:s30+s2] =	stream.linear.scatter [tilespmem:s6], [sflag:$0x3], $0x4000, $0x38;
	[tilespmem:$0x9000] =	vst v63  }
0x218: {  	_ =	swait.ge [sflag:s4], $0x4000  }
0x219: {  	[sflag:s4] =	ssyncset.done $0x0  }
0x21a: {  	[sflag:s4] =	ssyncadd.s32 $0xFFFFC000  }
0x21b: {  	[tilespmem:s6], [sflag:$0x1] =	stream.indirect.gather [hbm4b:s3+s8], $0x80, s29, s8, $0xb8;
	[tilespmem:$0x9000] =	vst v63  }
0x21c: {  	_ =	swait.ge [sflag:s7], $0x4000  }
0x21d: {  	[sflag:s7] =	ssyncset.done $0x0  }
0x21e: {  	s31 =	rddreg [dreg:$0xb];
	[sflag:s7] =	ssyncadd.s32 $0xFFFFC000  }
0x21f: {  	[hbm4b:s31+s2] =	stream.linear.scatter [tilespmem:s5], [sflag:$0x3], $0x4000, $0x38;
	[tilespmem:$0x9000] =	vst v63  }
0x220: {  	_ =	swait.ge [sflag:s4], $0x4000  }
0x221: {  	[sflag:s4] =	ssyncset.done $0x0  }
0x222: {  	[sflag:s4] =	ssyncadd.s32 $0xFFFFC000  }
0x223: {  	[tilespmem:s5], [sflag:$0x2] =	stream.indirect.gather [hbm4b:s3+s8], $0x80, s28, s8, $0xb8;
	[tilespmem:$0x9000] =	vst v63  }
0x224: {  	_ =	swait.ge [sflag:s9], $0x4000  }
0x225: {  	[sflag:s9] =	ssyncset.done $0x0  }
0x226: {  	s1 =	rddreg [dreg:$0xc];
	[sflag:s9] =	ssyncadd.s32 $0xFFFFC000  }
0x227: {  	[hbm4b:s1+s2] =	stream.linear.scatter [tilespmem:s6], [sflag:$0x3], $0x4000, $0x38;
	[tilespmem:$0x9000] =	vst v63  }
0x228: {  	_ =	swait.ge [sflag:s4], $0x4000  }
0x229: {  	[sflag:s4] =	ssyncset.done $0x0  }
0x22a: {  	[sflag:s4] =	ssyncadd.s32 $0xFFFFC000  }
0x22b: {  	[tilespmem:s6], [sflag:$0x1] =	stream.indirect.gather [hbm4b:s3+s8], $0x80, s25, s8, $0xb8;
	[tilespmem:$0x9000] =	vst v63  }
0x22c: {  	_ =	swait.ge [sflag:s7], $0x4000  }
0x22d: {  	[sflag:s7] =	ssyncset.done $0x0  }
0x22e: {  	s26 =	rddreg [dreg:$0xd];
	[sflag:s7] =	ssyncadd.s32 $0xFFFFC000  }
0x22f: {  	[hbm4b:s26+s2] =	stream.linear.scatter [tilespmem:s5], [sflag:$0x3], $0x4000, $0x38;
	[tilespmem:$0x9000] =	vst v63  }
0x230: {  	_ =	swait.ge [sflag:s4], $0x4000  }
0x231: {  	[sflag:s4] =	ssyncset.done $0x0  }
0x232: {  	[sflag:s4] =	ssyncadd.s32 $0xFFFFC000  }
0x233: {  	[tilespmem:s5], [sflag:$0x2] =	stream.indirect.gather [hbm4b:s3+s8], $0x80, s24, s8, $0xb8;
	[tilespmem:$0x9000] =	vst v63  }
0x234: {  	_ =	swait.ge [sflag:s9], $0x4000  }
0x235: {  	[sflag:s9] =	ssyncset.done $0x0  }
0x236: {  	s28 =	rddreg [dreg:$0xe];
	[sflag:s9] =	ssyncadd.s32 $0xFFFFC000  }
0x237: {  	[hbm4b:s28+s2] =	stream.linear.scatter [tilespmem:s6], [sflag:$0x3], $0x4000, $0x38;
	[tilespmem:$0x9000] =	vst v63  }
0x238: {  	_ =	swait.ge [sflag:s4], $0x4000  }
0x239: {  	[sflag:s4] =	ssyncset.done $0x0  }
0x23a: {  	[sflag:s4] =	ssyncadd.s32 $0xFFFFC000  }
0x23b: {  	[tilespmem:s6], [sflag:$0x1] =	stream.indirect.gather [hbm4b:s3+s8], $0x80, s23, s8, $0xb8;
	[tilespmem:$0x9000] =	vst v63  }
0x23c: {  	_ =	swait.ge [sflag:s7], $0x4000  }
0x23d: {  	[sflag:s7] =	ssyncset.done $0x0  }
0x23e: {  	s29 =	rddreg [dreg:$0xf];
	[sflag:s7] =	ssyncadd.s32 $0xFFFFC000  }
0x23f: {  	[hbm4b:s29+s2] =	stream.linear.scatter [tilespmem:s5], [sflag:$0x3], $0x4000, $0x38;
	[tilespmem:$0x9000] =	vst v63  }
0x240: {  	_ =	swait.ge [sflag:s4], $0x4000  }
0x241: {  	[sflag:s4] =	ssyncset.done $0x0  }
0x242: {  	[sflag:s4] =	ssyncadd.s32 $0xFFFFC000  }
0x243: {  	[tilespmem:s5], [sflag:$0x2] =	stream.indirect.gather [hbm4b:s3+s8], $0x80, s22, s8, $0xb8;
	[tilespmem:$0x9000] =	vst v63  }
0x244: {  	_ =	swait.ge [sflag:s9], $0x4000  }
0x245: {  	[sflag:s9] =	ssyncset.done $0x0  }
0x246: {  	s30 =	rddreg [dreg:$0x10];
	[sflag:s9] =	ssyncadd.s32 $0xFFFFC000  }
0x247: {  	[hbm4b:s30+s2] =	stream.linear.scatter [tilespmem:s6], [sflag:$0x3], $0x4000, $0x38;
	[tilespmem:$0x9000] =	vst v63  }
0x248: {  	_ =	swait.ge [sflag:s4], $0x4000  }
0x249: {  	[sflag:s4] =	ssyncset.done $0x0  }
0x24a: {  	[sflag:s4] =	ssyncadd.s32 $0xFFFFC000  }
0x24b: {  	[tilespmem:s6], [sflag:$0x1] =	stream.indirect.gather [hbm4b:s3+s8], $0x80, s21, s8, $0xb8;
	[tilespmem:$0x9000] =	vst v63  }
0x24c: {  	_ =	swait.ge [sflag:s7], $0x4000  }
0x24d: {  	[sflag:s7] =	ssyncset.done $0x0  }
0x24e: {  	s31 =	rddreg [dreg:$0x11];
	[sflag:s7] =	ssyncadd.s32 $0xFFFFC000  }
0x24f: {  	[hbm4b:s31+s2] =	stream.linear.scatter [tilespmem:s5], [sflag:$0x3], $0x4000, $0x38;
	[tilespmem:$0x9000] =	vst v63  }
0x250: {  	_ =	swait.ge [sflag:s4], $0x4000  }
0x251: {  	[sflag:s4] =	ssyncset.done $0x0  }
0x252: {  	[sflag:s4] =	ssyncadd.s32 $0xFFFFC000  }
0x253: {  	[tilespmem:s5], [sflag:$0x2] =	stream.indirect.gather [hbm4b:s3+s8], $0x80, s20, s8, $0xb8;
	[tilespmem:$0x9000] =	vst v63  }
0x254: {  	_ =	swait.ge [sflag:s9], $0x4000  }
0x255: {  	[sflag:s9] =	ssyncset.done $0x0  }
0x256: {  	s1 =	rddreg [dreg:$0x12];
	[sflag:s9] =	ssyncadd.s32 $0xFFFFC000  }
0x257: {  	[hbm4b:s1+s2] =	stream.linear.scatter [tilespmem:s6], [sflag:$0x3], $0x4000, $0x38;
	[tilespmem:$0x9000] =	vst v63  }
0x258: {  	_ =	swait.ge [sflag:s4], $0x4000  }
0x259: {  	[sflag:s4] =	ssyncset.done $0x0  }
0x25a: {  	[sflag:s4] =	ssyncadd.s32 $0xFFFFC000  }
0x25b: {  	[tilespmem:s6], [sflag:$0x1] =	stream.indirect.gather [hbm4b:s3+s8], $0x80, s19, s8, $0xb8;
	[tilespmem:$0x9000] =	vst v63  }
0x25c: {  	_ =	swait.ge [sflag:s7], $0x4000  }
0x25d: {  	[sflag:s7] =	ssyncset.done $0x0  }
0x25e: {  	s19 =	rddreg [dreg:$0x13];
	[sflag:s7] =	ssyncadd.s32 $0xFFFFC000  }
0x25f: {  	[hbm4b:s19+s2] =	stream.linear.scatter [tilespmem:s5], [sflag:$0x3], $0x4000, $0x38;
	[tilespmem:$0x9000] =	vst v63  }
0x260: {  	_ =	swait.ge [sflag:s4], $0x4000  }
0x261: {  	[sflag:s4] =	ssyncset.done $0x0  }
0x262: {  	[sflag:s4] =	ssyncadd.s32 $0xFFFFC000  }
0x263: {  	[tilespmem:s5], [sflag:$0x2] =	stream.indirect.gather [hbm4b:s3+s8], $0x80, s18, s8, $0xb8;
	[tilespmem:$0x9000] =	vst v63  }
0x264: {  	_ =	swait.ge [sflag:s9], $0x4000  }
0x265: {  	[sflag:s9] =	ssyncset.done $0x0  }
0x266: {  	s20 =	rddreg [dreg:$0x14];
	[sflag:s9] =	ssyncadd.s32 $0xFFFFC000  }
0x267: {  	[hbm4b:s20+s2] =	stream.linear.scatter [tilespmem:s6], [sflag:$0x3], $0x4000, $0x38;
	[tilespmem:$0x9000] =	vst v63  }
0x268: {  	_ =	swait.ge [sflag:s4], $0x4000  }
0x269: {  	[sflag:s4] =	ssyncset.done $0x0  }
0x26a: {  	[sflag:s4] =	ssyncadd.s32 $0xFFFFC000  }
0x26b: {  	[tilespmem:s6], [sflag:$0x1] =	stream.indirect.gather [hbm4b:s3+s8], $0x80, s17, s8, $0xb8;
	[tilespmem:$0x9000] =	vst v63  }
0x26c: {  	_ =	swait.ge [sflag:s7], $0x4000  }
0x26d: {  	[sflag:s7] =	ssyncset.done $0x0  }
0x26e: {  	s21 =	rddreg [dreg:$0x15];
	[sflag:s7] =	ssyncadd.s32 $0xFFFFC000  }
0x26f: {  	[hbm4b:s21+s2] =	stream.linear.scatter [tilespmem:s5], [sflag:$0x3], $0x4000, $0x38;
	[tilespmem:$0x9000] =	vst v63  }
0x270: {  	_ =	swait.ge [sflag:s4], $0x4000  }
0x271: {  	[sflag:s4] =	ssyncset.done $0x0  }
0x272: {  	[sflag:s4] =	ssyncadd.s32 $0xFFFFC000  }
0x273: {  	[tilespmem:s5], [sflag:$0x2] =	stream.indirect.gather [hbm4b:s3+s8], $0x80, s16, s8, $0xb8;
	[tilespmem:$0x9000] =	vst v63  }
0x274: {  	_ =	swait.ge [sflag:s9], $0x4000  }
0x275: {  	[sflag:s9] =	ssyncset.done $0x0  }
0x276: {  	s22 =	rddreg [dreg:$0x16];
	[sflag:s9] =	ssyncadd.s32 $0xFFFFC000  }
0x277: {  	[hbm4b:s22+s2] =	stream.linear.scatter [tilespmem:s6], [sflag:$0x3], $0x4000, $0x38;
	[tilespmem:$0x9000] =	vst v63  }
0x278: {  	_ =	swait.ge [sflag:s4], $0x4000  }
0x279: {  	[sflag:s4] =	ssyncset.done $0x0  }
0x27a: {  	[sflag:s4] =	ssyncadd.s32 $0xFFFFC000  }
0x27b: {  	[tilespmem:s6], [sflag:$0x1] =	stream.indirect.gather [hbm4b:s3+s8], $0x80, s15, s8, $0xb8;
	[tilespmem:$0x9000] =	vst v63  }
0x27c: {  	_ =	swait.ge [sflag:s7], $0x4000  }
0x27d: {  	[sflag:s7] =	ssyncset.done $0x0  }
0x27e: {  	s23 =	rddreg [dreg:$0x17];
	[sflag:s7] =	ssyncadd.s32 $0xFFFFC000  }
0x27f: {  	[hbm4b:s23+s2] =	stream.linear.scatter [tilespmem:s5], [sflag:$0x3], $0x4000, $0x38;
	[tilespmem:$0x9000] =	vst v63  }
0x280: {  	_ =	swait.ge [sflag:s4], $0x4000  }
0x281: {  	[sflag:s4] =	ssyncset.done $0x0  }
0x282: {  	[sflag:s4] =	ssyncadd.s32 $0xFFFFC000  }
0x283: {  	[tilespmem:s5], [sflag:$0x2] =	stream.indirect.gather [hbm4b:s3+s8], $0x80, s14, s8, $0xb8;
	[tilespmem:$0x9000] =	vst v63  }
0x284: {  	_ =	swait.ge [sflag:s9], $0x4000  }
0x285: {  	[sflag:s9] =	ssyncset.done $0x0  }
0x286: {  	s24 =	rddreg [dreg:$0x18];
	[sflag:s9] =	ssyncadd.s32 $0xFFFFC000  }
0x287: {  	[hbm4b:s24+s2] =	stream.linear.scatter [tilespmem:s6], [sflag:$0x3], $0x4000, $0x38;
	[tilespmem:$0x9000] =	vst v63  }
0x288: {  	_ =	swait.ge [sflag:s4], $0x4000  }
0x289: {  	[sflag:s4] =	ssyncset.done $0x0  }
0x28a: {  	[sflag:s4] =	ssyncadd.s32 $0xFFFFC000  }
0x28b: {  	[tilespmem:s6], [sflag:$0x1] =	stream.indirect.gather [hbm4b:s3+s8], $0x80, s13, s8, $0xb8;
	[tilespmem:$0x9000] =	vst v63  }
0x28c: {  	_ =	swait.ge [sflag:s7], $0x4000  }
0x28d: {  	[sflag:s7] =	ssyncset.done $0x0  }
0x28e: {  	s25 =	rddreg [dreg:$0x19];
	[sflag:s7] =	ssyncadd.s32 $0xFFFFC000  }
0x28f: {  	[hbm4b:s25+s2] =	stream.linear.scatter [tilespmem:s5], [sflag:$0x3], $0x4000, $0x38;
	[tilespmem:$0x9000] =	vst v63  }
0x290: {  	_ =	swait.ge [sflag:s4], $0x4000  }
0x291: {  	[sflag:s4] =	ssyncset.done $0x0  }
0x292: {  	[sflag:s4] =	ssyncadd.s32 $0xFFFFC000  }
0x293: {  	[tilespmem:s5], [sflag:$0x2] =	stream.indirect.gather [hbm4b:s3+s8], $0x80, s12, s8, $0xb8;
	[tilespmem:$0x9000] =	vst v63  }
0x294: {  	_ =	swait.ge [sflag:s9], $0x4000  }
0x295: {  	[sflag:s9] =	ssyncset.done $0x0  }
0x296: {  	s26 =	rddreg [dreg:$0x1a];
	[sflag:s9] =	ssyncadd.s32 $0xFFFFC000  }
0x297: {  	[hbm4b:s26+s2] =	stream.linear.scatter [tilespmem:s6], [sflag:$0x3], $0x4000, $0x38;
	[tilespmem:$0x9000] =	vst v63  }
0x298: {  	_ =	swait.ge [sflag:s4], $0x4000  }
0x299: {  	[sflag:s4] =	ssyncset.done $0x0  }
0x29a: {  	[sflag:s4] =	ssyncadd.s32 $0xFFFFC000  }
0x29b: {  	[tilespmem:s6], [sflag:$0x1] =	stream.indirect.gather [hbm4b:s3+s8], $0x80, s11, s8, $0xb8;
	[tilespmem:$0x9000] =	vst v63  }
0x29c: {  	_ =	swait.ge [sflag:s7], $0x4000  }
0x29d: {  	[sflag:s7] =	ssyncset.done $0x0  }
0x29e: {  	s28 =	rddreg [dreg:$0x1b];
	[sflag:s7] =	ssyncadd.s32 $0xFFFFC000  }
0x29f: {  	[hbm4b:s28+s2] =	stream.linear.scatter [tilespmem:s5], [sflag:$0x3], $0x4000, $0x38;
	[tilespmem:$0x9000] =	vst v63  }
0x2a0: {  	_ =	swait.ge [sflag:s4], $0x4000  }
0x2a1: {  	[sflag:s4] =	ssyncset.done $0x0  }
0x2a2: {  	[sflag:s4] =	ssyncadd.s32 $0xFFFFC000  }
0x2a3: {  	[tilespmem:s5], [sflag:$0x2] =	stream.indirect.gather [hbm4b:s3+s8], $0x80, s10, s8, $0xb8;
	[tilespmem:$0x9000] =	vst v63  }
0x2a4: {  	_ =	swait.ge [sflag:s9], $0x4000  }
0x2a5: {  	[sflag:s9] =	ssyncset.done $0x0  }
0x2a6: {  	s29 =	rddreg [dreg:$0x1c];
	[sflag:s9] =	ssyncadd.s32 $0xFFFFC000  }
0x2a7: {  	[hbm4b:s29+s2] =	stream.linear.scatter [tilespmem:s6], [sflag:$0x3], $0x4000, $0x38;
	[tilespmem:$0x9000] =	vst v63  }
0x2a8: {  	_ =	swait.ge [sflag:s4], $0x4000  }
0x2a9: {  	[sflag:s4] =	ssyncset.done $0x0  }
0x2aa: {  	[sflag:s4] =	ssyncadd.s32 $0xFFFFC000  }
0x2ab: {  	_ =	swait.ge [sflag:s7], $0x4000  }
0x2ac: {  	[sflag:s7] =	ssyncset.done $0x0  }
0x2ad: {  	s30 =	rddreg [dreg:$0x1d];
	[sflag:s7] =	ssyncadd.s32 $0xFFFFC000  }
0x2ae: {  	[hbm4b:s30+s2] =	stream.linear.scatter [tilespmem:s5], [sflag:$0x3], $0x4000, $0x38;
	[tilespmem:$0x9000] =	vst v63  }
0x2af: {  	_ =	swait.ge [sflag:s4], $0x4000  }
0x2b0: {  	[sflag:s4] =	ssyncset.done $0x0  }
0x2b1: {  	[sflag:s4] =	ssyncadd.s32 $0xFFFFC000  }
0x2b2: {  	_ =	sfence.sel $0x180000  }
0x2b3: {  	[bflag:$0x0] =	sbarrier.arrive $0xFFFF  }
0x2b4: {  	_ =	strace $0x90000047  }
0x2b5: {  	s31 =	stileid.u32;
	[bflag:$0x2] =	sbarrier.arrive $0xFFFF  }
0x2b6: {  	p0 =	sne.s32 s31, $0x0;
	s0 =	rddreg [dreg:$0x3]  }
0x2b7: {  	s0 =	sadd.s32 @!p0 $0x100000, s0  }
0x2b8: {  	[sflag:s0] =	ssyncadd.tile.s32 @!p0 $0x1;
	_ =	shalt  }
.Lfunc_end2:
_tile_overlayer_lowered:
.L_overlay_start_2:
0x2b9: {  	(tag) =	ssettag $0x2  }
0x2ba: {  	s0 =	rddreg [dreg:$0x0];
	s2 =	stileid.u32  }
0x2bb: {  	s1 =	rddreg [dreg:$0x1];
	p0 =	sne.s32 s2, $0x0  }
0x2bc: {  	s3 =	rddreg [dreg:$0x2];
	[bflag:$0x3] =	sbarrier.arrive $0xFFFF;
	s2 =	simm.s32 @!p0 $0x1C03  }
0x2bd: {  	[timem:s3], [sflag:s2] =	dma.local @!p0 [hbm:s0], s1  }
0x2be: {  	s0 =	simm.s32 @!p0 $0x3  }
0x2bf: {  	_ =	swait.ge @!p0 [sflag:s0], s1  }
0x2c0: {  	s1 =	ssub.s32 @!p0 $0x0, s1;
	[sflag:s0] =	ssyncset.done @!p0 $0x0  }
0x2c1: {  	[sflag:s0] =	ssyncadd.s32 @!p0 s1  }
0x2c2: {  	[bflag:$0x3] =	sbarrier.arrive $0xFFFF  }
0x2c3: {  	_ =	shalt  }

</sc_bundles>
